<compile_context>
chip_gen: v7x
topology: tpu7x:2x2x1
jax: 0.10.2.dev20260603
libtpu: 0.0.44.dev20260713+nightly
codegen_flags: <defaults>
</compile_context>

<pallas_src>
import functools

import jax
import jax.numpy as jnp
from jax import lax
from jax.experimental import pallas as pl
from jax.experimental.pallas import tpu as pltpu
from jax.experimental.pallas import tpu_sc as plsc

_NCTX = 200
_NNEXT = 4096
_NNEG = 16384
_NROWS = _NCTX + _NNEXT + _NNEG
_FEAT = 64
_B = 21504
_NW = 32
_BPW = _B // _NW
_CHUNKS = [(o, min(128, _BPW - o)) for o in range(0, _BPW, 128)]

_mesh = plsc.VectorSubcoreMesh(core_axis_name="c", subcore_axis_name="s")


@functools.partial(
    pl.kernel,
    mesh=_mesh,
    out_type=jax.ShapeDtypeStruct((_B // 2, 2 * _FEAT), jnp.float32),
    scratch_types=[
        pltpu.VMEM((_BPW,), jnp.int32),
        pltpu.VMEM((_BPW, _FEAT), jnp.float32),
        pltpu.SemaphoreType.DMA,
        pltpu.SemaphoreType.DMA,
    ],
    compiler_params=pltpu.CompilerParams(use_tc_tiling_on_sc=False),
)
def _sc_gather1(tab, idx_hbm, out, idx_v, rows_v, sem, osem):
    wid = lax.axis_index("s") * 2 + lax.axis_index("c")
    base = wid * _BPW
    half = _BPW // 2
    pbase = wid * half
    pltpu.sync_copy(idx_hbm.at[pl.ds(base, _BPW)], idx_v)
    cps = [pltpu.async_copy(tab.at[idx_v.at[pl.ds(o, n)]],
                            rows_v.at[pl.ds(o, n)], sem)
           for o, n in _CHUNKS]
    for cp in cps:
        cp.wait()
    cp1 = pltpu.async_copy(rows_v.at[pl.ds(0, half)],
                           out.at[pl.ds(pbase, half), pl.ds(0, _FEAT)],
                           osem)
    cp2 = pltpu.async_copy(rows_v.at[pl.ds(half, half)],
                           out.at[pl.ds(pbase, half), pl.ds(_FEAT, _FEAT)],
                           osem)
    cp1.wait()
    cp2.wait()


_RBP = _BPW // 2
_CTX2 = 256


def _tc_body(et_, ea_, er_, ct_, ca_, cr_, aff, nrm):
    dn = (((1,), (1,)), ((), ()))
    neg_inf = jnp.float32(-jnp.inf)
    col = lax.broadcasted_iota(jnp.int32, (_RBP, _CTX2), 1)
    valid = col < _NCTX

    se = jnp.full((_RBP, _CTX2), 0.0, jnp.float32)
    so = jnp.full((_RBP, _CTX2), 0.0, jnp.float32)
    nrm_e = jnp.zeros((_RBP,), jnp.float32)
    nrm_o = jnp.zeros((_RBP,), jnp.float32)
    for eref, cref in ((et_, ct_), (ea_, ca_), (er_, cr_)):
        eb = eref[...]
        cv = cref[...][:, :_FEAT]
        ev, od = eb[:, :_FEAT], eb[:, _FEAT:]
        se += lax.dot_general(ev, cv, dn)
        so += lax.dot_general(od, cv, dn)
        nrm_e += jnp.sum(ev * ev, 1)
        nrm_o += jnp.sum(od * od, 1)

    se = jnp.where(valid, se, neg_inf)
    so = jnp.where(valid, so, neg_inf)
    aff[...] = jnp.stack([jnp.max(se, 1), jnp.max(so, 1)])[None]
    nrm[...] = jnp.stack([jnp.sqrt(nrm_e), jnp.sqrt(nrm_o)])[None]


_eb = pl.BlockSpec((_RBP, 2 * _FEAT), lambda i: (i, 0))
_cb = pl.BlockSpec((_CTX2, 2 * _FEAT), lambda i: (0, 0))
_ob = pl.BlockSpec((1, 2, _RBP), lambda i: (i, 0, 0))

_tc_compute = pl.pallas_call(
    _tc_body,
    grid=(_NW,),
    in_specs=[_eb, _eb, _eb, _cb, _cb, _cb],
    out_specs=[_ob, _ob],
    out_shape=[jax.ShapeDtypeStruct((_NW, 2, _RBP), jnp.float32)] * 2,
)


def kernel(track_context, album_context, artist_context,
           next_track, next_album, next_artist,
           neg_track, neg_album, neg_artist,
           track_table, album_table, artist_table):
    pad = jnp.arange(_B - _NROWS, dtype=jnp.int32)
    idx_t = jnp.concatenate([track_context.astype(jnp.int32),
                             next_track.astype(jnp.int32),
                             neg_track.astype(jnp.int32), pad])
    idx_a = jnp.concatenate([album_context.astype(jnp.int32),
                             next_album.astype(jnp.int32),
                             neg_album.astype(jnp.int32), pad])
    idx_r = jnp.concatenate([artist_context.astype(jnp.int32),
                             next_artist.astype(jnp.int32),
                             neg_artist.astype(jnp.int32), pad])
    p_t = _sc_gather1(track_table, idx_t)
    p_a = _sc_gather1(album_table, idx_a)
    p_r = _sc_gather1(artist_table, idx_r)
    aff3, nrm3 = _tc_compute(p_t, p_a, p_r, p_t, p_a, p_r)
    aff = aff3.reshape(_B)
    nrm = nrm3.reshape(_B)
    return (aff[_NCTX:_NCTX + _NNEXT],
            aff[_NCTX + _NNEXT:_NROWS],
            nrm[:_NROWS])

# --- scband reference (transcript-rebuilt; emitter-appended) ---
"""Pipeline reference for scband-spotify-model-23716809409278 (READ-ONLY COPY).

The authoritative reference and input builder live on the scoring server;
editing this copy changes nothing except your own understanding.
"""

import jax, jax.numpy as jnp
import numpy as np

MAX_TRACKS = 100000
MAX_ALBUMS = 100000
N_ARTISTS = 295861
FEAT = 64


def setup_inputs(seed: int = 0) -> dict:
    key = jax.random.key(seed)
    ks = jax.random.split(key, 12)
    track_context = jax.random.randint(ks[0], (200,), 0, MAX_TRACKS)
    album_context = jax.random.randint(ks[1], (200,), 0, MAX_ALBUMS)
    artist_context = jax.random.randint(ks[2], (200,), 0, N_ARTISTS)
    next_track = jax.random.randint(ks[3], (4096,), 0, MAX_TRACKS)
    next_album = jax.random.randint(ks[4], (4096,), 0, MAX_ALBUMS)
    next_artist = jax.random.randint(ks[5], (4096,), 0, N_ARTISTS)
    neg_track = jax.random.randint(ks[6], (16384,), 0, MAX_TRACKS)
    neg_album = jax.random.randint(ks[7], (16384,), 0, MAX_ALBUMS)
    neg_artist = jax.random.randint(ks[8], (16384,), 0, N_ARTISTS)
    track_table = jax.random.normal(ks[9], (MAX_TRACKS, FEAT), dtype=jnp.float32) * 0.02
    album_table = jax.random.normal(ks[10], (MAX_ALBUMS, FEAT), dtype=jnp.float32) * 0.02
    artist_table = jax.random.normal(ks[11], (N_ARTISTS, FEAT), dtype=jnp.float32) * 0.02
    return {
        'track_context': track_context, 'album_context': album_context, 'artist_context': artist_context,
        'next_track': next_track, 'next_album': next_album, 'next_artist': next_artist,
        'neg_track': neg_track, 'neg_album': neg_album, 'neg_artist': neg_artist,
        'track_table': track_table, 'album_table': album_table, 'artist_table': artist_table,
    }


def _get_embeddings(track, album, artist, track_table, album_table, artist_table):
    track_modded = jnp.mod(track, MAX_TRACKS)
    track_embed = jnp.take(track_table, track_modded, axis=0)
    album_modded = jnp.mod(album, MAX_ALBUMS)
    album_embed = jnp.take(album_table, album_modded, axis=0)
    artist_embed = jnp.take(artist_table, artist, axis=0)
    return jnp.concatenate([track_embed, album_embed, artist_embed], axis=-1)


def reference(track_context, album_context, artist_context, next_track, next_album, next_artist,
              neg_track, neg_album, neg_artist, track_table, album_table, artist_table):
    context_embed = _get_embeddings(track_context, album_context, artist_context, track_table, album_table, artist_table)
    next_embed = _get_embeddings(next_track, next_album, next_artist, track_table, album_table, artist_table)
    neg_embed = _get_embeddings(neg_track, neg_album, neg_artist, track_table, album_table, artist_table)
    pos_affinity = jnp.max(jnp.dot(next_embed, context_embed.T), axis=-1)
    neg_affinity = jnp.max(jnp.dot(neg_embed, context_embed.T), axis=-1)
    all_embeddings = jnp.concatenate([context_embed, next_embed, neg_embed], axis=-2)
    all_embeddings_l2 = jnp.sqrt(jnp.sum(jnp.square(all_embeddings), axis=-1))
    return (pos_affinity, neg_affinity, all_embeddings_l2)

if __name__ == "__main__":
    import jax
    _d = setup_inputs()
    print(jax.jit(kernel)(*tuple(_d.values())))

</pallas_src>

<mosaic_0001>
#map = affine_map<(d0, d1) -> (0, 0)>
#map1 = affine_map<(d0, d1) -> (0)>
module attributes {stable_mosaic.version = 14 : i64} {
  func.func @_sc_gather1(%arg0: i32, %arg1: i32, %arg2: memref<100000x64xf32, #tpu.memory_space<hbm>>, %arg3: memref<21504xi32, #tpu.memory_space<hbm>>, %arg4: memref<10752x128xf32, #tpu.memory_space<hbm>>, %arg5: memref<672xi32, #tpu.memory_space<vmem>>, %arg6: memref<672x64xf32, #tpu.memory_space<vmem>>, %arg7: memref<!tpu.dma_semaphore, #tpu.memory_space<semaphore_mem>>, %arg8: memref<!tpu.dma_semaphore, #tpu.memory_space<semaphore_mem>>) attributes {dimension_semantics = [#tpu.dimension_semantics<core_parallel>, #tpu.dimension_semantics<subcore_parallel>], iteration_bounds = array<i64: 2, 16>, scalar_prefetch = 0 : i64, scratch_operands = 4 : i64, tpu.core_type = #tpu.core_type<sc_vector_subcore>, window_params = [{transform_indices = #map}, {transform_indices = #map1}, {transform_indices = #map}]} {
    %mul3A = arith.constant 2 : i32
    %mul3A_0 = arith.muli %arg1, %mul3A : i32
    %add3A = arith.addi %mul3A_0, %arg0 : i32
    %mul3A_1 = arith.constant 672 : i32
    %mul3A_2 = arith.muli %add3A, %mul3A_1 : i32
    %mul3A_3 = arith.constant 336 : i32
    %mul3A_4 = arith.muli %add3A, %mul3A_3 : i32
    "tpu.region"() ({
      %run_scoped3A = tpu.sem_alloc : memref<!tpu.dma_semaphore, #tpu.memory_space<semaphore_mem>>
      %dma_start3A_139 = tpu.memref_slice %arg3[%mul3A_2] : memref<21504xi32, #tpu.memory_space<hbm>> -> memref<672xi32, #tpu.memory_space<hbm>>
      %dma_start3A_140 = tpu.memref_slice %arg3[%mul3A_2] : memref<21504xi32, #tpu.memory_space<hbm>> -> memref<672xi32, #tpu.memory_space<hbm>>
      tpu.enqueue_dma source(%dma_start3A_140 : memref<672xi32, #tpu.memory_space<hbm>>) target(%arg5 : memref<672xi32, #tpu.memory_space<vmem>>) target_semaphore(%run_scoped3A : memref<!tpu.dma_semaphore, #tpu.memory_space<semaphore_mem>>)
      %dma_wait3A_141 = tpu.memref_slice %arg3[%mul3A_2] : memref<21504xi32, #tpu.memory_space<hbm>> -> memref<672xi32, #tpu.memory_space<hbm>>
      %dma_wait3A_142 = tpu.memref_slice %arg3[%mul3A_2] : memref<21504xi32, #tpu.memory_space<hbm>> -> memref<672xi32, #tpu.memory_space<hbm>>
      tpu.wait_dma2 semaphore(%run_scoped3A : memref<!tpu.dma_semaphore, #tpu.memory_space<semaphore_mem>>) src(%dma_wait3A_142 : memref<672xi32, #tpu.memory_space<hbm>>) dst(%arg5 : memref<672xi32, #tpu.memory_space<vmem>>)
      tpu.yield
    }) : () -> ()
    %dma_start3A = arith.constant 0 : i32
    %dma_start3A_5 = arith.constant 0 : i32
    %dma_start3A_6 = tpu.memref_slice %arg6[%dma_start3A, %dma_start3A_5] : memref<672x64xf32, #tpu.memory_space<vmem>> -> memref<128x64xf32, #tpu.memory_space<vmem>>
    %dma_start3A_7 = arith.constant 0 : i32
    %dma_start3A_8 = tpu.memref_slice %arg5[%dma_start3A_7] : memref<672xi32, #tpu.memory_space<vmem>> -> memref<128xi32, #tpu.memory_space<vmem>>
    %dma_start3A_9 = arith.constant 0 : i32
    %dma_start3A_10 = arith.constant 0 : i32
    %dma_start3A_11 = tpu.memref_slice %arg2[%dma_start3A_9, %dma_start3A_10] : memref<100000x64xf32, #tpu.memory_space<hbm>> -> memref<100000x64xf32, #tpu.memory_space<hbm>>
    tpu.enqueue_indirect_dma source(%dma_start3A_11 : memref<100000x64xf32, #tpu.memory_space<hbm>>) target(%dma_start3A_6 : memref<128x64xf32, #tpu.memory_space<vmem>>) offsets(%dma_start3A_8 : memref<128xi32, #tpu.memory_space<vmem>>) semaphore(%arg7 : memref<!tpu.dma_semaphore, #tpu.memory_space<semaphore_mem>>)
    %dma_start3A_12 = arith.constant 128 : i32
    %dma_start3A_13 = arith.constant 0 : i32
    %dma_start3A_14 = tpu.memref_slice %arg6[%dma_start3A_12, %dma_start3A_13] : memref<672x64xf32, #tpu.memory_space<vmem>> -> memref<128x64xf32, #tpu.memory_space<vmem>>
    %dma_start3A_15 = arith.constant 128 : i32
    %dma_start3A_16 = tpu.memref_slice %arg5[%dma_start3A_15] : memref<672xi32, #tpu.memory_space<vmem>> -> memref<128xi32, #tpu.memory_space<vmem>>
    %dma_start3A_17 = arith.constant 0 : i32
    %dma_start3A_18 = arith.constant 0 : i32
    %dma_start3A_19 = tpu.memref_slice %arg2[%dma_start3A_17, %dma_start3A_18] : memref<100000x64xf32, #tpu.memory_space<hbm>> -> memref<100000x64xf32, #tpu.memory_space<hbm>>
    tpu.enqueue_indirect_dma source(%dma_start3A_19 : memref<100000x64xf32, #tpu.memory_space<hbm>>) target(%dma_start3A_14 : memref<128x64xf32, #tpu.memory_space<vmem>>) offsets(%dma_start3A_16 : memref<128xi32, #tpu.memory_space<vmem>>) semaphore(%arg7 : memref<!tpu.dma_semaphore, #tpu.memory_space<semaphore_mem>>)
    %dma_start3A_20 = arith.constant 256 : i32
    %dma_start3A_21 = arith.constant 0 : i32
    %dma_start3A_22 = tpu.memref_slice %arg6[%dma_start3A_20, %dma_start3A_21] : memref<672x64xf32, #tpu.memory_space<vmem>> -> memref<128x64xf32, #tpu.memory_space<vmem>>
    %dma_start3A_23 = arith.constant 256 : i32
    %dma_start3A_24 = tpu.memref_slice %arg5[%dma_start3A_23] : memref<672xi32, #tpu.memory_space<vmem>> -> memref<128xi32, #tpu.memory_space<vmem>>
    %dma_start3A_25 = arith.constant 0 : i32
    %dma_start3A_26 = arith.constant 0 : i32
    %dma_start3A_27 = tpu.memref_slice %arg2[%dma_start3A_25, %dma_start3A_26] : memref<100000x64xf32, #tpu.memory_space<hbm>> -> memref<100000x64xf32, #tpu.memory_space<hbm>>
    tpu.enqueue_indirect_dma source(%dma_start3A_27 : memref<100000x64xf32, #tpu.memory_space<hbm>>) target(%dma_start3A_22 : memref<128x64xf32, #tpu.memory_space<vmem>>) offsets(%dma_start3A_24 : memref<128xi32, #tpu.memory_space<vmem>>) semaphore(%arg7 : memref<!tpu.dma_semaphore, #tpu.memory_space<semaphore_mem>>)
    %dma_start3A_28 = arith.constant 384 : i32
    %dma_start3A_29 = arith.constant 0 : i32
    %dma_start3A_30 = tpu.memref_slice %arg6[%dma_start3A_28, %dma_start3A_29] : memref<672x64xf32, #tpu.memory_space<vmem>> -> memref<128x64xf32, #tpu.memory_space<vmem>>
    %dma_start3A_31 = arith.constant 384 : i32
    %dma_start3A_32 = tpu.memref_slice %arg5[%dma_start3A_31] : memref<672xi32, #tpu.memory_space<vmem>> -> memref<128xi32, #tpu.memory_space<vmem>>
    %dma_start3A_33 = arith.constant 0 : i32
    %dma_start3A_34 = arith.constant 0 : i32
    %dma_start3A_35 = tpu.memref_slice %arg2[%dma_start3A_33, %dma_start3A_34] : memref<100000x64xf32, #tpu.memory_space<hbm>> -> memref<100000x64xf32, #tpu.memory_space<hbm>>
    tpu.enqueue_indirect_dma source(%dma_start3A_35 : memref<100000x64xf32, #tpu.memory_space<hbm>>) target(%dma_start3A_30 : memref<128x64xf32, #tpu.memory_space<vmem>>) offsets(%dma_start3A_32 : memref<128xi32, #tpu.memory_space<vmem>>) semaphore(%arg7 : memref<!tpu.dma_semaphore, #tpu.memory_space<semaphore_mem>>)
    %dma_start3A_36 = arith.constant 512 : i32
    %dma_start3A_37 = arith.constant 0 : i32
    %dma_start3A_38 = tpu.memref_slice %arg6[%dma_start3A_36, %dma_start3A_37] : memref<672x64xf32, #tpu.memory_space<vmem>> -> memref<128x64xf32, #tpu.memory_space<vmem>>
    %dma_start3A_39 = arith.constant 512 : i32
    %dma_start3A_40 = tpu.memref_slice %arg5[%dma_start3A_39] : memref<672xi32, #tpu.memory_space<vmem>> -> memref<128xi32, #tpu.memory_space<vmem>>
    %dma_start3A_41 = arith.constant 0 : i32
    %dma_start3A_42 = arith.constant 0 : i32
    %dma_start3A_43 = tpu.memref_slice %arg2[%dma_start3A_41, %dma_start3A_42] : memref<100000x64xf32, #tpu.memory_space<hbm>> -> memref<100000x64xf32, #tpu.memory_space<hbm>>
    tpu.enqueue_indirect_dma source(%dma_start3A_43 : memref<100000x64xf32, #tpu.memory_space<hbm>>) target(%dma_start3A_38 : memref<128x64xf32, #tpu.memory_space<vmem>>) offsets(%dma_start3A_40 : memref<128xi32, #tpu.memory_space<vmem>>) semaphore(%arg7 : memref<!tpu.dma_semaphore, #tpu.memory_space<semaphore_mem>>)
    %dma_start3A_44 = arith.constant 640 : i32
    %dma_start3A_45 = arith.constant 0 : i32
    %dma_start3A_46 = tpu.memref_slice %arg6[%dma_start3A_44, %dma_start3A_45] : memref<672x64xf32, #tpu.memory_space<vmem>> -> memref<32x64xf32, #tpu.memory_space<vmem>>
    %dma_start3A_47 = arith.constant 640 : i32
    %dma_start3A_48 = tpu.memref_slice %arg5[%dma_start3A_47] : memref<672xi32, #tpu.memory_space<vmem>> -> memref<32xi32, #tpu.memory_space<vmem>>
    %dma_start3A_49 = arith.constant 0 : i32
    %dma_start3A_50 = arith.constant 0 : i32
    %dma_start3A_51 = tpu.memref_slice %arg2[%dma_start3A_49, %dma_start3A_50] : memref<100000x64xf32, #tpu.memory_space<hbm>> -> memref<100000x64xf32, #tpu.memory_space<hbm>>
    tpu.enqueue_indirect_dma source(%dma_start3A_51 : memref<100000x64xf32, #tpu.memory_space<hbm>>) target(%dma_start3A_46 : memref<32x64xf32, #tpu.memory_space<vmem>>) offsets(%dma_start3A_48 : memref<32xi32, #tpu.memory_space<vmem>>) semaphore(%arg7 : memref<!tpu.dma_semaphore, #tpu.memory_space<semaphore_mem>>)
    %dma_wait3A = arith.constant 0 : i32
    %dma_wait3A_52 = arith.constant 0 : i32
    %dma_wait3A_53 = tpu.memref_slice %arg6[%dma_wait3A, %dma_wait3A_52] : memref<672x64xf32, #tpu.memory_space<vmem>> -> memref<128x64xf32, #tpu.memory_space<vmem>>
    %dma_wait3A_54 = arith.constant 0 : i32
    %dma_wait3A_55 = tpu.memref_slice %arg5[%dma_wait3A_54] : memref<672xi32, #tpu.memory_space<vmem>> -> memref<128xi32, #tpu.memory_space<vmem>>
    %dma_wait3A_56 = arith.constant 0 : i32
    %dma_wait3A_57 = arith.constant 0 : i32
    %dma_wait3A_58 = tpu.memref_slice %arg2[%dma_wait3A_56, %dma_wait3A_57] : memref<100000x64xf32, #tpu.memory_space<hbm>> -> memref<100000x64xf32, #tpu.memory_space<hbm>>
    tpu.wait_indirect_dma semaphore(%arg7 : memref<!tpu.dma_semaphore, #tpu.memory_space<semaphore_mem>>) src(%dma_wait3A_58 : memref<100000x64xf32, #tpu.memory_space<hbm>>) dst(%dma_wait3A_53 : memref<128x64xf32, #tpu.memory_space<vmem>>)
    %dma_wait3A_59 = arith.constant 128 : i32
    %dma_wait3A_60 = arith.constant 0 : i32
    %dma_wait3A_61 = tpu.memref_slice %arg6[%dma_wait3A_59, %dma_wait3A_60] : memref<672x64xf32, #tpu.memory_space<vmem>> -> memref<128x64xf32, #tpu.memory_space<vmem>>
    %dma_wait3A_62 = arith.constant 128 : i32
    %dma_wait3A_63 = tpu.memref_slice %arg5[%dma_wait3A_62] : memref<672xi32, #tpu.memory_space<vmem>> -> memref<128xi32, #tpu.memory_space<vmem>>
    %dma_wait3A_64 = arith.constant 0 : i32
    %dma_wait3A_65 = arith.constant 0 : i32
    %dma_wait3A_66 = tpu.memref_slice %arg2[%dma_wait3A_64, %dma_wait3A_65] : memref<100000x64xf32, #tpu.memory_space<hbm>> -> memref<100000x64xf32, #tpu.memory_space<hbm>>
    tpu.wait_indirect_dma semaphore(%arg7 : memref<!tpu.dma_semaphore, #tpu.memory_space<semaphore_mem>>) src(%dma_wait3A_66 : memref<100000x64xf32, #tpu.memory_space<hbm>>) dst(%dma_wait3A_61 : memref<128x64xf32, #tpu.memory_space<vmem>>)
    %dma_wait3A_67 = arith.constant 256 : i32
    %dma_wait3A_68 = arith.constant 0 : i32
    %dma_wait3A_69 = tpu.memref_slice %arg6[%dma_wait3A_67, %dma_wait3A_68] : memref<672x64xf32, #tpu.memory_space<vmem>> -> memref<128x64xf32, #tpu.memory_space<vmem>>
    %dma_wait3A_70 = arith.constant 256 : i32
    %dma_wait3A_71 = tpu.memref_slice %arg5[%dma_wait3A_70] : memref<672xi32, #tpu.memory_space<vmem>> -> memref<128xi32, #tpu.memory_space<vmem>>
    %dma_wait3A_72 = arith.constant 0 : i32
    %dma_wait3A_73 = arith.constant 0 : i32
    %dma_wait3A_74 = tpu.memref_slice %arg2[%dma_wait3A_72, %dma_wait3A_73] : memref<100000x64xf32, #tpu.memory_space<hbm>> -> memref<100000x64xf32, #tpu.memory_space<hbm>>
    tpu.wait_indirect_dma semaphore(%arg7 : memref<!tpu.dma_semaphore, #tpu.memory_space<semaphore_mem>>) src(%dma_wait3A_74 : memref<100000x64xf32, #tpu.memory_space<hbm>>) dst(%dma_wait3A_69 : memref<128x64xf32, #tpu.memory_space<vmem>>)
    %dma_wait3A_75 = arith.constant 384 : i32
    %dma_wait3A_76 = arith.constant 0 : i32
    %dma_wait3A_77 = tpu.memref_slice %arg6[%dma_wait3A_75, %dma_wait3A_76] : memref<672x64xf32, #tpu.memory_space<vmem>> -> memref<128x64xf32, #tpu.memory_space<vmem>>
    %dma_wait3A_78 = arith.constant 384 : i32
    %dma_wait3A_79 = tpu.memref_slice %arg5[%dma_wait3A_78] : memref<672xi32, #tpu.memory_space<vmem>> -> memref<128xi32, #tpu.memory_space<vmem>>
    %dma_wait3A_80 = arith.constant 0 : i32
    %dma_wait3A_81 = arith.constant 0 : i32
    %dma_wait3A_82 = tpu.memref_slice %arg2[%dma_wait3A_80, %dma_wait3A_81] : memref<100000x64xf32, #tpu.memory_space<hbm>> -> memref<100000x64xf32, #tpu.memory_space<hbm>>
    tpu.wait_indirect_dma semaphore(%arg7 : memref<!tpu.dma_semaphore, #tpu.memory_space<semaphore_mem>>) src(%dma_wait3A_82 : memref<100000x64xf32, #tpu.memory_space<hbm>>) dst(%dma_wait3A_77 : memref<128x64xf32, #tpu.memory_space<vmem>>)
    %dma_wait3A_83 = arith.constant 512 : i32
    %dma_wait3A_84 = arith.constant 0 : i32
    %dma_wait3A_85 = tpu.memref_slice %arg6[%dma_wait3A_83, %dma_wait3A_84] : memref<672x64xf32, #tpu.memory_space<vmem>> -> memref<128x64xf32, #tpu.memory_space<vmem>>
    %dma_wait3A_86 = arith.constant 512 : i32
    %dma_wait3A_87 = tpu.memref_slice %arg5[%dma_wait3A_86] : memref<672xi32, #tpu.memory_space<vmem>> -> memref<128xi32, #tpu.memory_space<vmem>>
    %dma_wait3A_88 = arith.constant 0 : i32
    %dma_wait3A_89 = arith.constant 0 : i32
    %dma_wait3A_90 = tpu.memref_slice %arg2[%dma_wait3A_88, %dma_wait3A_89] : memref<100000x64xf32, #tpu.memory_space<hbm>> -> memref<100000x64xf32, #tpu.memory_space<hbm>>
    tpu.wait_indirect_dma semaphore(%arg7 : memref<!tpu.dma_semaphore, #tpu.memory_space<semaphore_mem>>) src(%dma_wait3A_90 : memref<100000x64xf32, #tpu.memory_space<hbm>>) dst(%dma_wait3A_85 : memref<128x64xf32, #tpu.memory_space<vmem>>)
    %dma_wait3A_91 = arith.constant 640 : i32
    %dma_wait3A_92 = arith.constant 0 : i32
    %dma_wait3A_93 = tpu.memref_slice %arg6[%dma_wait3A_91, %dma_wait3A_92] : memref<672x64xf32, #tpu.memory_space<vmem>> -> memref<32x64xf32, #tpu.memory_space<vmem>>
    %dma_wait3A_94 = arith.constant 640 : i32
    %dma_wait3A_95 = tpu.memref_slice %arg5[%dma_wait3A_94] : memref<672xi32, #tpu.memory_space<vmem>> -> memref<32xi32, #tpu.memory_space<vmem>>
    %dma_wait3A_96 = arith.constant 0 : i32
    %dma_wait3A_97 = arith.constant 0 : i32
    %dma_wait3A_98 = tpu.memref_slice %arg2[%dma_wait3A_96, %dma_wait3A_97] : memref<100000x64xf32, #tpu.memory_space<hbm>> -> memref<100000x64xf32, #tpu.memory_space<hbm>>
    tpu.wait_indirect_dma semaphore(%arg7 : memref<!tpu.dma_semaphore, #tpu.memory_space<semaphore_mem>>) src(%dma_wait3A_98 : memref<100000x64xf32, #tpu.memory_space<hbm>>) dst(%dma_wait3A_93 : memref<32x64xf32, #tpu.memory_space<vmem>>)
    %dma_start3A_99 = arith.constant 0 : i32
    %dma_start3A_100 = arith.constant 0 : i32
    %dma_start3A_101 = tpu.memref_slice %arg6[%dma_start3A_99, %dma_start3A_100] : memref<672x64xf32, #tpu.memory_space<vmem>> -> memref<336x64xf32, #tpu.memory_space<vmem>>
    %dma_start3A_102 = arith.constant 0 : i32
    %dma_start3A_103 = tpu.memref_slice %arg4[%mul3A_4, %dma_start3A_102] : memref<10752x128xf32, #tpu.memory_space<hbm>> -> memref<336x64xf32, #tpu.memory_space<hbm>>
    %dma_start3A_104 = arith.constant 0 : i32
    %dma_start3A_105 = tpu.memref_slice %arg4[%mul3A_4, %dma_start3A_104] : memref<10752x128xf32, #tpu.memory_space<hbm>> -> memref<336x64xf32, #tpu.memory_space<hbm>>
    %dma_start3A_106 = arith.constant 0 : i32
    %dma_start3A_107 = arith.constant 0 : i32
    %dma_start3A_108 = tpu.memref_slice %arg6[%dma_start3A_106, %dma_start3A_107] : memref<672x64xf32, #tpu.memory_space<vmem>> -> memref<336x64xf32, #tpu.memory_space<vmem>>
    tpu.enqueue_dma source(%dma_start3A_108 : memref<336x64xf32, #tpu.memory_space<vmem>>) target(%dma_start3A_105 : memref<336x64xf32, #tpu.memory_space<hbm>>) target_semaphore(%arg8 : memref<!tpu.dma_semaphore, #tpu.memory_space<semaphore_mem>>)
    %dma_start3A_109 = arith.constant 336 : i32
    %dma_start3A_110 = arith.constant 0 : i32
    %dma_start3A_111 = tpu.memref_slice %arg6[%dma_start3A_109, %dma_start3A_110] : memref<672x64xf32, #tpu.memory_space<vmem>> -> memref<336x64xf32, #tpu.memory_space<vmem>>
    %dma_start3A_112 = arith.constant 64 : i32
    %dma_start3A_113 = tpu.memref_slice %arg4[%mul3A_4, %dma_start3A_112] : memref<10752x128xf32, #tpu.memory_space<hbm>> -> memref<336x64xf32, #tpu.memory_space<hbm>>
    %dma_start3A_114 = arith.constant 64 : i32
    %dma_start3A_115 = tpu.memref_slice %arg4[%mul3A_4, %dma_start3A_114] : memref<10752x128xf32, #tpu.memory_space<hbm>> -> memref<336x64xf32, #tpu.memory_space<hbm>>
    %dma_start3A_116 = arith.constant 336 : i32
    %dma_start3A_117 = arith.constant 0 : i32
    %dma_start3A_118 = tpu.memref_slice %arg6[%dma_start3A_116, %dma_start3A_117] : memref<672x64xf32, #tpu.memory_space<vmem>> -> memref<336x64xf32, #tpu.memory_space<vmem>>
    tpu.enqueue_dma source(%dma_start3A_118 : memref<336x64xf32, #tpu.memory_space<vmem>>) target(%dma_start3A_115 : memref<336x64xf32, #tpu.memory_space<hbm>>) target_semaphore(%arg8 : memref<!tpu.dma_semaphore, #tpu.memory_space<semaphore_mem>>)
    %dma_wait3A_119 = arith.constant 0 : i32
    %dma_wait3A_120 = arith.constant 0 : i32
    %dma_wait3A_121 = tpu.memref_slice %arg6[%dma_wait3A_119, %dma_wait3A_120] : memref<672x64xf32, #tpu.memory_space<vmem>> -> memref<336x64xf32, #tpu.memory_space<vmem>>
    %dma_wait3A_122 = arith.constant 0 : i32
    %dma_wait3A_123 = tpu.memref_slice %arg4[%mul3A_4, %dma_wait3A_122] : memref<10752x128xf32, #tpu.memory_space<hbm>> -> memref<336x64xf32, #tpu.memory_space<hbm>>
    %dma_wait3A_124 = arith.constant 0 : i32
    %dma_wait3A_125 = tpu.memref_slice %arg4[%mul3A_4, %dma_wait3A_124] : memref<10752x128xf32, #tpu.memory_space<hbm>> -> memref<336x64xf32, #tpu.memory_space<hbm>>
    %dma_wait3A_126 = arith.constant 0 : i32
    %dma_wait3A_127 = arith.constant 0 : i32
    %dma_wait3A_128 = tpu.memref_slice %arg6[%dma_wait3A_126, %dma_wait3A_127] : memref<672x64xf32, #tpu.memory_space<vmem>> -> memref<336x64xf32, #tpu.memory_space<vmem>>
    tpu.wait_dma2 semaphore(%arg8 : memref<!tpu.dma_semaphore, #tpu.memory_space<semaphore_mem>>) src(%dma_wait3A_128 : memref<336x64xf32, #tpu.memory_space<vmem>>) dst(%dma_wait3A_125 : memref<336x64xf32, #tpu.memory_space<hbm>>)
    %dma_wait3A_129 = arith.constant 336 : i32
    %dma_wait3A_130 = arith.constant 0 : i32
    %dma_wait3A_131 = tpu.memref_slice %arg6[%dma_wait3A_129, %dma_wait3A_130] : memref<672x64xf32, #tpu.memory_space<vmem>> -> memref<336x64xf32, #tpu.memory_space<vmem>>
    %dma_wait3A_132 = arith.constant 64 : i32
    %dma_wait3A_133 = tpu.memref_slice %arg4[%mul3A_4, %dma_wait3A_132] : memref<10752x128xf32, #tpu.memory_space<hbm>> -> memref<336x64xf32, #tpu.memory_space<hbm>>
    %dma_wait3A_134 = arith.constant 64 : i32
    %dma_wait3A_135 = tpu.memref_slice %arg4[%mul3A_4, %dma_wait3A_134] : memref<10752x128xf32, #tpu.memory_space<hbm>> -> memref<336x64xf32, #tpu.memory_space<hbm>>
    %dma_wait3A_136 = arith.constant 336 : i32
    %dma_wait3A_137 = arith.constant 0 : i32
    %dma_wait3A_138 = tpu.memref_slice %arg6[%dma_wait3A_136, %dma_wait3A_137] : memref<672x64xf32, #tpu.memory_space<vmem>> -> memref<336x64xf32, #tpu.memory_space<vmem>>
    tpu.wait_dma2 semaphore(%arg8 : memref<!tpu.dma_semaphore, #tpu.memory_space<semaphore_mem>>) src(%dma_wait3A_138 : memref<336x64xf32, #tpu.memory_space<vmem>>) dst(%dma_wait3A_135 : memref<336x64xf32, #tpu.memory_space<hbm>>)
    return
  }
}

#map = affine_map<(d0, d1) -> (0, 0)>
#map1 = affine_map<(d0, d1) -> (0)>
module attributes {stable_mosaic.version = 14 : i64} {
  func.func @_sc_gather1(%arg0: i32, %arg1: i32, %arg2: memref<295861x64xf32, #tpu.memory_space<hbm>>, %arg3: memref<21504xi32, #tpu.memory_space<hbm>>, %arg4: memref<10752x128xf32, #tpu.memory_space<hbm>>, %arg5: memref<672xi32, #tpu.memory_space<vmem>>, %arg6: memref<672x64xf32, #tpu.memory_space<vmem>>, %arg7: memref<!tpu.dma_semaphore, #tpu.memory_space<semaphore_mem>>, %arg8: memref<!tpu.dma_semaphore, #tpu.memory_space<semaphore_mem>>) attributes {dimension_semantics = [#tpu.dimension_semantics<core_parallel>, #tpu.dimension_semantics<subcore_parallel>], iteration_bounds = array<i64: 2, 16>, scalar_prefetch = 0 : i64, scratch_operands = 4 : i64, tpu.core_type = #tpu.core_type<sc_vector_subcore>, window_params = [{transform_indices = #map}, {transform_indices = #map1}, {transform_indices = #map}]} {
    %mul3A = arith.constant 2 : i32
    %mul3A_0 = arith.muli %arg1, %mul3A : i32
    %add3A = arith.addi %mul3A_0, %arg0 : i32
    %mul3A_1 = arith.constant 672 : i32
    %mul3A_2 = arith.muli %add3A, %mul3A_1 : i32
    %mul3A_3 = arith.constant 336 : i32
    %mul3A_4 = arith.muli %add3A, %mul3A_3 : i32
    "tpu.region"() ({
      %run_scoped3A = tpu.sem_alloc : memref<!tpu.dma_semaphore, #tpu.memory_space<semaphore_mem>>
      %dma_start3A_139 = tpu.memref_slice %arg3[%mul3A_2] : memref<21504xi32, #tpu.memory_space<hbm>> -> memref<672xi32, #tpu.memory_space<hbm>>
      %dma_start3A_140 = tpu.memref_slice %arg3[%mul3A_2] : memref<21504xi32, #tpu.memory_space<hbm>> -> memref<672xi32, #tpu.memory_space<hbm>>
      tpu.enqueue_dma source(%dma_start3A_140 : memref<672xi32, #tpu.memory_space<hbm>>) target(%arg5 : memref<672xi32, #tpu.memory_space<vmem>>) target_semaphore(%run_scoped3A : memref<!tpu.dma_semaphore, #tpu.memory_space<semaphore_mem>>)
      %dma_wait3A_141 = tpu.memref_slice %arg3[%mul3A_2] : memref<21504xi32, #tpu.memory_space<hbm>> -> memref<672xi32, #tpu.memory_space<hbm>>
      %dma_wait3A_142 = tpu.memref_slice %arg3[%mul3A_2] : memref<21504xi32, #tpu.memory_space<hbm>> -> memref<672xi32, #tpu.memory_space<hbm>>
      tpu.wait_dma2 semaphore(%run_scoped3A : memref<!tpu.dma_semaphore, #tpu.memory_space<semaphore_mem>>) src(%dma_wait3A_142 : memref<672xi32, #tpu.memory_space<hbm>>) dst(%arg5 : memref<672xi32, #tpu.memory_space<vmem>>)
      tpu.yield
    }) : () -> ()
    %dma_start3A = arith.constant 0 : i32
    %dma_start3A_5 = arith.constant 0 : i32
    %dma_start3A_6 = tpu.memref_slice %arg6[%dma_start3A, %dma_start3A_5] : memref<672x64xf32, #tpu.memory_space<vmem>> -> memref<128x64xf32, #tpu.memory_space<vmem>>
    %dma_start3A_7 = arith.constant 0 : i32
    %dma_start3A_8 = tpu.memref_slice %arg5[%dma_start3A_7] : memref<672xi32, #tpu.memory_space<vmem>> -> memref<128xi32, #tpu.memory_space<vmem>>
    %dma_start3A_9 = arith.constant 0 : i32
    %dma_start3A_10 = arith.constant 0 : i32
    %dma_start3A_11 = tpu.memref_slice %arg2[%dma_start3A_9, %dma_start3A_10] : memref<295861x64xf32, #tpu.memory_space<hbm>> -> memref<295861x64xf32, #tpu.memory_space<hbm>>
    tpu.enqueue_indirect_dma source(%dma_start3A_11 : memref<295861x64xf32, #tpu.memory_space<hbm>>) target(%dma_start3A_6 : memref<128x64xf32, #tpu.memory_space<vmem>>) offsets(%dma_start3A_8 : memref<128xi32, #tpu.memory_space<vmem>>) semaphore(%arg7 : memref<!tpu.dma_semaphore, #tpu.memory_space<semaphore_mem>>)
    %dma_start3A_12 = arith.constant 128 : i32
    %dma_start3A_13 = arith.constant 0 : i32
    %dma_start3A_14 = tpu.memref_slice %arg6[%dma_start3A_12, %dma_start3A_13] : memref<672x64xf32, #tpu.memory_space<vmem>> -> memref<128x64xf32, #tpu.memory_space<vmem>>
    %dma_start3A_15 = arith.constant 128 : i32
    %dma_start3A_16 = tpu.memref_slice %arg5[%dma_start3A_15] : memref<672xi32, #tpu.memory_space<vmem>> -> memref<128xi32, #tpu.memory_space<vmem>>
    %dma_start3A_17 = arith.constant 0 : i32
    %dma_start3A_18 = arith.constant 0 : i32
    %dma_start3A_19 = tpu.memref_slice %arg2[%dma_start3A_17, %dma_start3A_18] : memref<295861x64xf32, #tpu.memory_space<hbm>> -> memref<295861x64xf32, #tpu.memory_space<hbm>>
    tpu.enqueue_indirect_dma source(%dma_start3A_19 : memref<295861x64xf32, #tpu.memory_space<hbm>>) target(%dma_start3A_14 : memref<128x64xf32, #tpu.memory_space<vmem>>) offsets(%dma_start3A_16 : memref<128xi32, #tpu.memory_space<vmem>>) semaphore(%arg7 : memref<!tpu.dma_semaphore, #tpu.memory_space<semaphore_mem>>)
    %dma_start3A_20 = arith.constant 256 : i32
    %dma_start3A_21 = arith.constant 0 : i32
    %dma_start3A_22 = tpu.memref_slice %arg6[%dma_start3A_20, %dma_start3A_21] : memref<672x64xf32, #tpu.memory_space<vmem>> -> memref<128x64xf32, #tpu.memory_space<vmem>>
    %dma_start3A_23 = arith.constant 256 : i32
    %dma_start3A_24 = tpu.memref_slice %arg5[%dma_start3A_23] : memref<672xi32, #tpu.memory_space<vmem>> -> memref<128xi32, #tpu.memory_space<vmem>>
    %dma_start3A_25 = arith.constant 0 : i32
    %dma_start3A_26 = arith.constant 0 : i32
    %dma_start3A_27 = tpu.memref_slice %arg2[%dma_start3A_25, %dma_start3A_26] : memref<295861x64xf32, #tpu.memory_space<hbm>> -> memref<295861x64xf32, #tpu.memory_space<hbm>>
    tpu.enqueue_indirect_dma source(%dma_start3A_27 : memref<295861x64xf32, #tpu.memory_space<hbm>>) target(%dma_start3A_22 : memref<128x64xf32, #tpu.memory_space<vmem>>) offsets(%dma_start3A_24 : memref<128xi32, #tpu.memory_space<vmem>>) semaphore(%arg7 : memref<!tpu.dma_semaphore, #tpu.memory_space<semaphore_mem>>)
    %dma_start3A_28 = arith.constant 384 : i32
    %dma_start3A_29 = arith.constant 0 : i32
    %dma_start3A_30 = tpu.memref_slice %arg6[%dma_start3A_28, %dma_start3A_29] : memref<672x64xf32, #tpu.memory_space<vmem>> -> memref<128x64xf32, #tpu.memory_space<vmem>>
    %dma_start3A_31 = arith.constant 384 : i32
    %dma_start3A_32 = tpu.memref_slice %arg5[%dma_start3A_31] : memref<672xi32, #tpu.memory_space<vmem>> -> memref<128xi32, #tpu.memory_space<vmem>>
    %dma_start3A_33 = arith.constant 0 : i32
    %dma_start3A_34 = arith.constant 0 : i32
    %dma_start3A_35 = tpu.memref_slice %arg2[%dma_start3A_33, %dma_start3A_34] : memref<295861x64xf32, #tpu.memory_space<hbm>> -> memref<295861x64xf32, #tpu.memory_space<hbm>>
    tpu.enqueue_indirect_dma source(%dma_start3A_35 : memref<295861x64xf32, #tpu.memory_space<hbm>>) target(%dma_start3A_30 : memref<128x64xf32, #tpu.memory_space<vmem>>) offsets(%dma_start3A_32 : memref<128xi32, #tpu.memory_space<vmem>>) semaphore(%arg7 : memref<!tpu.dma_semaphore, #tpu.memory_space<semaphore_mem>>)
    %dma_start3A_36 = arith.constant 512 : i32
    %dma_start3A_37 = arith.constant 0 : i32
    %dma_start3A_38 = tpu.memref_slice %arg6[%dma_start3A_36, %dma_start3A_37] : memref<672x64xf32, #tpu.memory_space<vmem>> -> memref<128x64xf32, #tpu.memory_space<vmem>>
    %dma_start3A_39 = arith.constant 512 : i32
    %dma_start3A_40 = tpu.memref_slice %arg5[%dma_start3A_39] : memref<672xi32, #tpu.memory_space<vmem>> -> memref<128xi32, #tpu.memory_space<vmem>>
    %dma_start3A_41 = arith.constant 0 : i32
    %dma_start3A_42 = arith.constant 0 : i32
    %dma_start3A_43 = tpu.memref_slice %arg2[%dma_start3A_41, %dma_start3A_42] : memref<295861x64xf32, #tpu.memory_space<hbm>> -> memref<295861x64xf32, #tpu.memory_space<hbm>>
    tpu.enqueue_indirect_dma source(%dma_start3A_43 : memref<295861x64xf32, #tpu.memory_space<hbm>>) target(%dma_start3A_38 : memref<128x64xf32, #tpu.memory_space<vmem>>) offsets(%dma_start3A_40 : memref<128xi32, #tpu.memory_space<vmem>>) semaphore(%arg7 : memref<!tpu.dma_semaphore, #tpu.memory_space<semaphore_mem>>)
    %dma_start3A_44 = arith.constant 640 : i32
    %dma_start3A_45 = arith.constant 0 : i32
    %dma_start3A_46 = tpu.memref_slice %arg6[%dma_start3A_44, %dma_start3A_45] : memref<672x64xf32, #tpu.memory_space<vmem>> -> memref<32x64xf32, #tpu.memory_space<vmem>>
    %dma_start3A_47 = arith.constant 640 : i32
    %dma_start3A_48 = tpu.memref_slice %arg5[%dma_start3A_47] : memref<672xi32, #tpu.memory_space<vmem>> -> memref<32xi32, #tpu.memory_space<vmem>>
    %dma_start3A_49 = arith.constant 0 : i32
    %dma_start3A_50 = arith.constant 0 : i32
    %dma_start3A_51 = tpu.memref_slice %arg2[%dma_start3A_49, %dma_start3A_50] : memref<295861x64xf32, #tpu.memory_space<hbm>> -> memref<295861x64xf32, #tpu.memory_space<hbm>>
    tpu.enqueue_indirect_dma source(%dma_start3A_51 : memref<295861x64xf32, #tpu.memory_space<hbm>>) target(%dma_start3A_46 : memref<32x64xf32, #tpu.memory_space<vmem>>) offsets(%dma_start3A_48 : memref<32xi32, #tpu.memory_space<vmem>>) semaphore(%arg7 : memref<!tpu.dma_semaphore, #tpu.memory_space<semaphore_mem>>)
    %dma_wait3A = arith.constant 0 : i32
    %dma_wait3A_52 = arith.constant 0 : i32
    %dma_wait3A_53 = tpu.memref_slice %arg6[%dma_wait3A, %dma_wait3A_52] : memref<672x64xf32, #tpu.memory_space<vmem>> -> memref<128x64xf32, #tpu.memory_space<vmem>>
    %dma_wait3A_54 = arith.constant 0 : i32
    %dma_wait3A_55 = tpu.memref_slice %arg5[%dma_wait3A_54] : memref<672xi32, #tpu.memory_space<vmem>> -> memref<128xi32, #tpu.memory_space<vmem>>
    %dma_wait3A_56 = arith.constant 0 : i32
    %dma_wait3A_57 = arith.constant 0 : i32
    %dma_wait3A_58 = tpu.memref_slice %arg2[%dma_wait3A_56, %dma_wait3A_57] : memref<295861x64xf32, #tpu.memory_space<hbm>> -> memref<295861x64xf32, #tpu.memory_space<hbm>>
    tpu.wait_indirect_dma semaphore(%arg7 : memref<!tpu.dma_semaphore, #tpu.memory_space<semaphore_mem>>) src(%dma_wait3A_58 : memref<295861x64xf32, #tpu.memory_space<hbm>>) dst(%dma_wait3A_53 : memref<128x64xf32, #tpu.memory_space<vmem>>)
    %dma_wait3A_59 = arith.constant 128 : i32
    %dma_wait3A_60 = arith.constant 0 : i32
    %dma_wait3A_61 = tpu.memref_slice %arg6[%dma_wait3A_59, %dma_wait3A_60] : memref<672x64xf32, #tpu.memory_space<vmem>> -> memref<128x64xf32, #tpu.memory_space<vmem>>
    %dma_wait3A_62 = arith.constant 128 : i32
    %dma_wait3A_63 = tpu.memref_slice %arg5[%dma_wait3A_62] : memref<672xi32, #tpu.memory_space<vmem>> -> memref<128xi32, #tpu.memory_space<vmem>>
    %dma_wait3A_64 = arith.constant 0 : i32
    %dma_wait3A_65 = arith.constant 0 : i32
    %dma_wait3A_66 = tpu.memref_slice %arg2[%dma_wait3A_64, %dma_wait3A_65] : memref<295861x64xf32, #tpu.memory_space<hbm>> -> memref<295861x64xf32, #tpu.memory_space<hbm>>
    tpu.wait_indirect_dma semaphore(%arg7 : memref<!tpu.dma_semaphore, #tpu.memory_space<semaphore_mem>>) src(%dma_wait3A_66 : memref<295861x64xf32, #tpu.memory_space<hbm>>) dst(%dma_wait3A_61 : memref<128x64xf32, #tpu.memory_space<vmem>>)
    %dma_wait3A_67 = arith.constant 256 : i32
    %dma_wait3A_68 = arith.constant 0 : i32
    %dma_wait3A_69 = tpu.memref_slice %arg6[%dma_wait3A_67, %dma_wait3A_68] : memref<672x64xf32, #tpu.memory_space<vmem>> -> memref<128x64xf32, #tpu.memory_space<vmem>>
    %dma_wait3A_70 = arith.constant 256 : i32
    %dma_wait3A_71 = tpu.memref_slice %arg5[%dma_wait3A_70] : memref<672xi32, #tpu.memory_space<vmem>> -> memref<128xi32, #tpu.memory_space<vmem>>
    %dma_wait3A_72 = arith.constant 0 : i32
    %dma_wait3A_73 = arith.constant 0 : i32
    %dma_wait3A_74 = tpu.memref_slice %arg2[%dma_wait3A_72, %dma_wait3A_73] : memref<295861x64xf32, #tpu.memory_space<hbm>> -> memref<295861x64xf32, #tpu.memory_space<hbm>>
    tpu.wait_indirect_dma semaphore(%arg7 : memref<!tpu.dma_semaphore, #tpu.memory_space<semaphore_mem>>) src(%dma_wait3A_74 : memref<295861x64xf32, #tpu.memory_space<hbm>>) dst(%dma_wait3A_69 : memref<128x64xf32, #tpu.memory_space<vmem>>)
    %dma_wait3A_75 = arith.constant 384 : i32
    %dma_wait3A_76 = arith.constant 0 : i32
    %dma_wait3A_77 = tpu.memref_slice %arg6[%dma_wait3A_75, %dma_wait3A_76] : memref<672x64xf32, #tpu.memory_space<vmem>> -> memref<128x64xf32, #tpu.memory_space<vmem>>
    %dma_wait3A_78 = arith.constant 384 : i32
    %dma_wait3A_79 = tpu.memref_slice %arg5[%dma_wait3A_78] : memref<672xi32, #tpu.memory_space<vmem>> -> memref<128xi32, #tpu.memory_space<vmem>>
    %dma_wait3A_80 = arith.constant 0 : i32
    %dma_wait3A_81 = arith.constant 0 : i32
    %dma_wait3A_82 = tpu.memref_slice %arg2[%dma_wait3A_80, %dma_wait3A_81] : memref<295861x64xf32, #tpu.memory_space<hbm>> -> memref<295861x64xf32, #tpu.memory_space<hbm>>
    tpu.wait_indirect_dma semaphore(%arg7 : memref<!tpu.dma_semaphore, #tpu.memory_space<semaphore_mem>>) src(%dma_wait3A_82 : memref<295861x64xf32, #tpu.memory_space<hbm>>) dst(%dma_wait3A_77 : memref<128x64xf32, #tpu.memory_space<vmem>>)
    %dma_wait3A_83 = arith.constant 512 : i32
    %dma_wait3A_84 = arith.constant 0 : i32
    %dma_wait3A_85 = tpu.memref_slice %arg6[%dma_wait3A_83, %dma_wait3A_84] : memref<672x64xf32, #tpu.memory_space<vmem>> -> memref<128x64xf32, #tpu.memory_space<vmem>>
    %dma_wait3A_86 = arith.constant 512 : i32
    %dma_wait3A_87 = tpu.memref_slice %arg5[%dma_wait3A_86] : memref<672xi32, #tpu.memory_space<vmem>> -> memref<128xi32, #tpu.memory_space<vmem>>
    %dma_wait3A_88 = arith.constant 0 : i32
    %dma_wait3A_89 = arith.constant 0 : i32
    %dma_wait3A_90 = tpu.memref_slice %arg2[%dma_wait3A_88, %dma_wait3A_89] : memref<295861x64xf32, #tpu.memory_space<hbm>> -> memref<295861x64xf32, #tpu.memory_space<hbm>>
    tpu.wait_indirect_dma semaphore(%arg7 : memref<!tpu.dma_semaphore, #tpu.memory_space<semaphore_mem>>) src(%dma_wait3A_90 : memref<295861x64xf32, #tpu.memory_space<hbm>>) dst(%dma_wait3A_85 : memref<128x64xf32, #tpu.memory_space<vmem>>)
    %dma_wait3A_91 = arith.constant 640 : i32
    %dma_wait3A_92 = arith.constant 0 : i32
    %dma_wait3A_93 = tpu.memref_slice %arg6[%dma_wait3A_91, %dma_wait3A_92] : memref<672x64xf32, #tpu.memory_space<vmem>> -> memref<32x64xf32, #tpu.memory_space<vmem>>
    %dma_wait3A_94 = arith.constant 640 : i32
    %dma_wait3A_95 = tpu.memref_slice %arg5[%dma_wait3A_94] : memref<672xi32, #tpu.memory_space<vmem>> -> memref<32xi32, #tpu.memory_space<vmem>>
    %dma_wait3A_96 = arith.constant 0 : i32
    %dma_wait3A_97 = arith.constant 0 : i32
    %dma_wait3A_98 = tpu.memref_slice %arg2[%dma_wait3A_96, %dma_wait3A_97] : memref<295861x64xf32, #tpu.memory_space<hbm>> -> memref<295861x64xf32, #tpu.memory_space<hbm>>
    tpu.wait_indirect_dma semaphore(%arg7 : memref<!tpu.dma_semaphore, #tpu.memory_space<semaphore_mem>>) src(%dma_wait3A_98 : memref<295861x64xf32, #tpu.memory_space<hbm>>) dst(%dma_wait3A_93 : memref<32x64xf32, #tpu.memory_space<vmem>>)
    %dma_start3A_99 = arith.constant 0 : i32
    %dma_start3A_100 = arith.constant 0 : i32
    %dma_start3A_101 = tpu.memref_slice %arg6[%dma_start3A_99, %dma_start3A_100] : memref<672x64xf32, #tpu.memory_space<vmem>> -> memref<336x64xf32, #tpu.memory_space<vmem>>
    %dma_start3A_102 = arith.constant 0 : i32
    %dma_start3A_103 = tpu.memref_slice %arg4[%mul3A_4, %dma_start3A_102] : memref<10752x128xf32, #tpu.memory_space<hbm>> -> memref<336x64xf32, #tpu.memory_space<hbm>>
    %dma_start3A_104 = arith.constant 0 : i32
    %dma_start3A_105 = tpu.memref_slice %arg4[%mul3A_4, %dma_start3A_104] : memref<10752x128xf32, #tpu.memory_space<hbm>> -> memref<336x64xf32, #tpu.memory_space<hbm>>
    %dma_start3A_106 = arith.constant 0 : i32
    %dma_start3A_107 = arith.constant 0 : i32
    %dma_start3A_108 = tpu.memref_slice %arg6[%dma_start3A_106, %dma_start3A_107] : memref<672x64xf32, #tpu.memory_space<vmem>> -> memref<336x64xf32, #tpu.memory_space<vmem>>
    tpu.enqueue_dma source(%dma_start3A_108 : memref<336x64xf32, #tpu.memory_space<vmem>>) target(%dma_start3A_105 : memref<336x64xf32, #tpu.memory_space<hbm>>) target_semaphore(%arg8 : memref<!tpu.dma_semaphore, #tpu.memory_space<semaphore_mem>>)
    %dma_start3A_109 = arith.constant 336 : i32
    %dma_start3A_110 = arith.constant 0 : i32
    %dma_start3A_111 = tpu.memref_slice %arg6[%dma_start3A_109, %dma_start3A_110] : memref<672x64xf32, #tpu.memory_space<vmem>> -> memref<336x64xf32, #tpu.memory_space<vmem>>
    %dma_start3A_112 = arith.constant 64 : i32
    %dma_start3A_113 = tpu.memref_slice %arg4[%mul3A_4, %dma_start3A_112] : memref<10752x128xf32, #tpu.memory_space<hbm>> -> memref<336x64xf32, #tpu.memory_space<hbm>>
    %dma_start3A_114 = arith.constant 64 : i32
    %dma_start3A_115 = tpu.memref_slice %arg4[%mul3A_4, %dma_start3A_114] : memref<10752x128xf32, #tpu.memory_space<hbm>> -> memref<336x64xf32, #tpu.memory_space<hbm>>
    %dma_start3A_116 = arith.constant 336 : i32
    %dma_start3A_117 = arith.constant 0 : i32
    %dma_start3A_118 = tpu.memref_slice %arg6[%dma_start3A_116, %dma_start3A_117] : memref<672x64xf32, #tpu.memory_space<vmem>> -> memref<336x64xf32, #tpu.memory_space<vmem>>
    tpu.enqueue_dma source(%dma_start3A_118 : memref<336x64xf32, #tpu.memory_space<vmem>>) target(%dma_start3A_115 : memref<336x64xf32, #tpu.memory_space<hbm>>) target_semaphore(%arg8 : memref<!tpu.dma_semaphore, #tpu.memory_space<semaphore_mem>>)
    %dma_wait3A_119 = arith.constant 0 : i32
    %dma_wait3A_120 = arith.constant 0 : i32
    %dma_wait3A_121 = tpu.memref_slice %arg6[%dma_wait3A_119, %dma_wait3A_120] : memref<672x64xf32, #tpu.memory_space<vmem>> -> memref<336x64xf32, #tpu.memory_space<vmem>>
    %dma_wait3A_122 = arith.constant 0 : i32
    %dma_wait3A_123 = tpu.memref_slice %arg4[%mul3A_4, %dma_wait3A_122] : memref<10752x128xf32, #tpu.memory_space<hbm>> -> memref<336x64xf32, #tpu.memory_space<hbm>>
    %dma_wait3A_124 = arith.constant 0 : i32
    %dma_wait3A_125 = tpu.memref_slice %arg4[%mul3A_4, %dma_wait3A_124] : memref<10752x128xf32, #tpu.memory_space<hbm>> -> memref<336x64xf32, #tpu.memory_space<hbm>>
    %dma_wait3A_126 = arith.constant 0 : i32
    %dma_wait3A_127 = arith.constant 0 : i32
    %dma_wait3A_128 = tpu.memref_slice %arg6[%dma_wait3A_126, %dma_wait3A_127] : memref<672x64xf32, #tpu.memory_space<vmem>> -> memref<336x64xf32, #tpu.memory_space<vmem>>
    tpu.wait_dma2 semaphore(%arg8 : memref<!tpu.dma_semaphore, #tpu.memory_space<semaphore_mem>>) src(%dma_wait3A_128 : memref<336x64xf32, #tpu.memory_space<vmem>>) dst(%dma_wait3A_125 : memref<336x64xf32, #tpu.memory_space<hbm>>)
    %dma_wait3A_129 = arith.constant 336 : i32
    %dma_wait3A_130 = arith.constant 0 : i32
    %dma_wait3A_131 = tpu.memref_slice %arg6[%dma_wait3A_129, %dma_wait3A_130] : memref<672x64xf32, #tpu.memory_space<vmem>> -> memref<336x64xf32, #tpu.memory_space<vmem>>
    %dma_wait3A_132 = arith.constant 64 : i32
    %dma_wait3A_133 = tpu.memref_slice %arg4[%mul3A_4, %dma_wait3A_132] : memref<10752x128xf32, #tpu.memory_space<hbm>> -> memref<336x64xf32, #tpu.memory_space<hbm>>
    %dma_wait3A_134 = arith.constant 64 : i32
    %dma_wait3A_135 = tpu.memref_slice %arg4[%mul3A_4, %dma_wait3A_134] : memref<10752x128xf32, #tpu.memory_space<hbm>> -> memref<336x64xf32, #tpu.memory_space<hbm>>
    %dma_wait3A_136 = arith.constant 336 : i32
    %dma_wait3A_137 = arith.constant 0 : i32
    %dma_wait3A_138 = tpu.memref_slice %arg6[%dma_wait3A_136, %dma_wait3A_137] : memref<672x64xf32, #tpu.memory_space<vmem>> -> memref<336x64xf32, #tpu.memory_space<vmem>>
    tpu.wait_dma2 semaphore(%arg8 : memref<!tpu.dma_semaphore, #tpu.memory_space<semaphore_mem>>) src(%dma_wait3A_138 : memref<336x64xf32, #tpu.memory_space<vmem>>) dst(%dma_wait3A_135 : memref<336x64xf32, #tpu.memory_space<hbm>>)
    return
  }
}

#map = affine_map<(d0, d1) -> (0, 0)>
#map1 = affine_map<(d0, d1) -> (0)>
module attributes {stable_mosaic.version = 14 : i64} {
  func.func @_sc_gather1(%arg0: i32, %arg1: i32, %arg2: memref<100000x64xf32, #tpu.memory_space<hbm>>, %arg3: memref<21504xi32, #tpu.memory_space<hbm>>, %arg4: memref<10752x128xf32, #tpu.memory_space<hbm>>, %arg5: memref<672xi32, #tpu.memory_space<vmem>>, %arg6: memref<672x64xf32, #tpu.memory_space<vmem>>, %arg7: memref<!tpu.dma_semaphore, #tpu.memory_space<semaphore_mem>>, %arg8: memref<!tpu.dma_semaphore, #tpu.memory_space<semaphore_mem>>) attributes {dimension_semantics = [#tpu.dimension_semantics<core_parallel>, #tpu.dimension_semantics<subcore_parallel>], iteration_bounds = array<i64: 2, 16>, scalar_prefetch = 0 : i64, scratch_operands = 4 : i64, tpu.core_type = #tpu.core_type<sc_vector_subcore>, window_params = [{transform_indices = #map}, {transform_indices = #map1}, {transform_indices = #map}]} {
    %mul3A = arith.constant 2 : i32
    %mul3A_0 = arith.muli %arg1, %mul3A : i32
    %add3A = arith.addi %mul3A_0, %arg0 : i32
    %mul3A_1 = arith.constant 672 : i32
    %mul3A_2 = arith.muli %add3A, %mul3A_1 : i32
    %mul3A_3 = arith.constant 336 : i32
    %mul3A_4 = arith.muli %add3A, %mul3A_3 : i32
    "tpu.region"() ({
      %run_scoped3A = tpu.sem_alloc : memref<!tpu.dma_semaphore, #tpu.memory_space<semaphore_mem>>
      %dma_start3A_139 = tpu.memref_slice %arg3[%mul3A_2] : memref<21504xi32, #tpu.memory_space<hbm>> -> memref<672xi32, #tpu.memory_space<hbm>>
      %dma_start3A_140 = tpu.memref_slice %arg3[%mul3A_2] : memref<21504xi32, #tpu.memory_space<hbm>> -> memref<672xi32, #tpu.memory_space<hbm>>
      tpu.enqueue_dma source(%dma_start3A_140 : memref<672xi32, #tpu.memory_space<hbm>>) target(%arg5 : memref<672xi32, #tpu.memory_space<vmem>>) target_semaphore(%run_scoped3A : memref<!tpu.dma_semaphore, #tpu.memory_space<semaphore_mem>>)
      %dma_wait3A_141 = tpu.memref_slice %arg3[%mul3A_2] : memref<21504xi32, #tpu.memory_space<hbm>> -> memref<672xi32, #tpu.memory_space<hbm>>
      %dma_wait3A_142 = tpu.memref_slice %arg3[%mul3A_2] : memref<21504xi32, #tpu.memory_space<hbm>> -> memref<672xi32, #tpu.memory_space<hbm>>
      tpu.wait_dma2 semaphore(%run_scoped3A : memref<!tpu.dma_semaphore, #tpu.memory_space<semaphore_mem>>) src(%dma_wait3A_142 : memref<672xi32, #tpu.memory_space<hbm>>) dst(%arg5 : memref<672xi32, #tpu.memory_space<vmem>>)
      tpu.yield
    }) : () -> ()
    %dma_start3A = arith.constant 0 : i32
    %dma_start3A_5 = arith.constant 0 : i32
    %dma_start3A_6 = tpu.memref_slice %arg6[%dma_start3A, %dma_start3A_5] : memref<672x64xf32, #tpu.memory_space<vmem>> -> memref<128x64xf32, #tpu.memory_space<vmem>>
    %dma_start3A_7 = arith.constant 0 : i32
    %dma_start3A_8 = tpu.memref_slice %arg5[%dma_start3A_7] : memref<672xi32, #tpu.memory_space<vmem>> -> memref<128xi32, #tpu.memory_space<vmem>>
    %dma_start3A_9 = arith.constant 0 : i32
    %dma_start3A_10 = arith.constant 0 : i32
    %dma_start3A_11 = tpu.memref_slice %arg2[%dma_start3A_9, %dma_start3A_10] : memref<100000x64xf32, #tpu.memory_space<hbm>> -> memref<100000x64xf32, #tpu.memory_space<hbm>>
    tpu.enqueue_indirect_dma source(%dma_start3A_11 : memref<100000x64xf32, #tpu.memory_space<hbm>>) target(%dma_start3A_6 : memref<128x64xf32, #tpu.memory_space<vmem>>) offsets(%dma_start3A_8 : memref<128xi32, #tpu.memory_space<vmem>>) semaphore(%arg7 : memref<!tpu.dma_semaphore, #tpu.memory_space<semaphore_mem>>)
    %dma_start3A_12 = arith.constant 128 : i32
    %dma_start3A_13 = arith.constant 0 : i32
    %dma_start3A_14 = tpu.memref_slice %arg6[%dma_start3A_12, %dma_start3A_13] : memref<672x64xf32, #tpu.memory_space<vmem>> -> memref<128x64xf32, #tpu.memory_space<vmem>>
    %dma_start3A_15 = arith.constant 128 : i32
    %dma_start3A_16 = tpu.memref_slice %arg5[%dma_start3A_15] : memref<672xi32, #tpu.memory_space<vmem>> -> memref<128xi32, #tpu.memory_space<vmem>>
    %dma_start3A_17 = arith.constant 0 : i32
    %dma_start3A_18 = arith.constant 0 : i32
    %dma_start3A_19 = tpu.memref_slice %arg2[%dma_start3A_17, %dma_start3A_18] : memref<100000x64xf32, #tpu.memory_space<hbm>> -> memref<100000x64xf32, #tpu.memory_space<hbm>>
    tpu.enqueue_indirect_dma source(%dma_start3A_19 : memref<100000x64xf32, #tpu.memory_space<hbm>>) target(%dma_start3A_14 : memref<128x64xf32, #tpu.memory_space<vmem>>) offsets(%dma_start3A_16 : memref<128xi32, #tpu.memory_space<vmem>>) semaphore(%arg7 : memref<!tpu.dma_semaphore, #tpu.memory_space<semaphore_mem>>)
    %dma_start3A_20 = arith.constant 256 : i32
    %dma_start3A_21 = arith.constant 0 : i32
    %dma_start3A_22 = tpu.memref_slice %arg6[%dma_start3A_20, %dma_start3A_21] : memref<672x64xf32, #tpu.memory_space<vmem>> -> memref<128x64xf32, #tpu.memory_space<vmem>>
    %dma_start3A_23 = arith.constant 256 : i32
    %dma_start3A_24 = tpu.memref_slice %arg5[%dma_start3A_23] : memref<672xi32, #tpu.memory_space<vmem>> -> memref<128xi32, #tpu.memory_space<vmem>>
    %dma_start3A_25 = arith.constant 0 : i32
    %dma_start3A_26 = arith.constant 0 : i32
    %dma_start3A_27 = tpu.memref_slice %arg2[%dma_start3A_25, %dma_start3A_26] : memref<100000x64xf32, #tpu.memory_space<hbm>> -> memref<100000x64xf32, #tpu.memory_space<hbm>>
    tpu.enqueue_indirect_dma source(%dma_start3A_27 : memref<100000x64xf32, #tpu.memory_space<hbm>>) target(%dma_start3A_22 : memref<128x64xf32, #tpu.memory_space<vmem>>) offsets(%dma_start3A_24 : memref<128xi32, #tpu.memory_space<vmem>>) semaphore(%arg7 : memref<!tpu.dma_semaphore, #tpu.memory_space<semaphore_mem>>)
    %dma_start3A_28 = arith.constant 384 : i32
    %dma_start3A_29 = arith.constant 0 : i32
    %dma_start3A_30 = tpu.memref_slice %arg6[%dma_start3A_28, %dma_start3A_29] : memref<672x64xf32, #tpu.memory_space<vmem>> -> memref<128x64xf32, #tpu.memory_space<vmem>>
    %dma_start3A_31 = arith.constant 384 : i32
    %dma_start3A_32 = tpu.memref_slice %arg5[%dma_start3A_31] : memref<672xi32, #tpu.memory_space<vmem>> -> memref<128xi32, #tpu.memory_space<vmem>>
    %dma_start3A_33 = arith.constant 0 : i32
    %dma_start3A_34 = arith.constant 0 : i32
    %dma_start3A_35 = tpu.memref_slice %arg2[%dma_start3A_33, %dma_start3A_34] : memref<100000x64xf32, #tpu.memory_space<hbm>> -> memref<100000x64xf32, #tpu.memory_space<hbm>>
    tpu.enqueue_indirect_dma source(%dma_start3A_35 : memref<100000x64xf32, #tpu.memory_space<hbm>>) target(%dma_start3A_30 : memref<128x64xf32, #tpu.memory_space<vmem>>) offsets(%dma_start3A_32 : memref<128xi32, #tpu.memory_space<vmem>>) semaphore(%arg7 : memref<!tpu.dma_semaphore, #tpu.memory_space<semaphore_mem>>)
    %dma_start3A_36 = arith.constant 512 : i32
    %dma_start3A_37 = arith.constant 0 : i32
    %dma_start3A_38 = tpu.memref_slice %arg6[%dma_start3A_36, %dma_start3A_37] : memref<672x64xf32, #tpu.memory_space<vmem>> -> memref<128x64xf32, #tpu.memory_space<vmem>>
    %dma_start3A_39 = arith.constant 512 : i32
    %dma_start3A_40 = tpu.memref_slice %arg5[%dma_start3A_39] : memref<672xi32, #tpu.memory_space<vmem>> -> memref<128xi32, #tpu.memory_space<vmem>>
    %dma_start3A_41 = arith.constant 0 : i32
    %dma_start3A_42 = arith.constant 0 : i32
    %dma_start3A_43 = tpu.memref_slice %arg2[%dma_start3A_41, %dma_start3A_42] : memref<100000x64xf32, #tpu.memory_space<hbm>> -> memref<100000x64xf32, #tpu.memory_space<hbm>>
    tpu.enqueue_indirect_dma source(%dma_start3A_43 : memref<100000x64xf32, #tpu.memory_space<hbm>>) target(%dma_start3A_38 : memref<128x64xf32, #tpu.memory_space<vmem>>) offsets(%dma_start3A_40 : memref<128xi32, #tpu.memory_space<vmem>>) semaphore(%arg7 : memref<!tpu.dma_semaphore, #tpu.memory_space<semaphore_mem>>)
    %dma_start3A_44 = arith.constant 640 : i32
    %dma_start3A_45 = arith.constant 0 : i32
    %dma_start3A_46 = tpu.memref_slice %arg6[%dma_start3A_44, %dma_start3A_45] : memref<672x64xf32, #tpu.memory_space<vmem>> -> memref<32x64xf32, #tpu.memory_space<vmem>>
    %dma_start3A_47 = arith.constant 640 : i32
    %dma_start3A_48 = tpu.memref_slice %arg5[%dma_start3A_47] : memref<672xi32, #tpu.memory_space<vmem>> -> memref<32xi32, #tpu.memory_space<vmem>>
    %dma_start3A_49 = arith.constant 0 : i32
    %dma_start3A_50 = arith.constant 0 : i32
    %dma_start3A_51 = tpu.memref_slice %arg2[%dma_start3A_49, %dma_start3A_50] : memref<100000x64xf32, #tpu.memory_space<hbm>> -> memref<100000x64xf32, #tpu.memory_space<hbm>>
    tpu.enqueue_indirect_dma source(%dma_start3A_51 : memref<100000x64xf32, #tpu.memory_space<hbm>>) target(%dma_start3A_46 : memref<32x64xf32, #tpu.memory_space<vmem>>) offsets(%dma_start3A_48 : memref<32xi32, #tpu.memory_space<vmem>>) semaphore(%arg7 : memref<!tpu.dma_semaphore, #tpu.memory_space<semaphore_mem>>)
    %dma_wait3A = arith.constant 0 : i32
    %dma_wait3A_52 = arith.constant 0 : i32
    %dma_wait3A_53 = tpu.memref_slice %arg6[%dma_wait3A, %dma_wait3A_52] : memref<672x64xf32, #tpu.memory_space<vmem>> -> memref<128x64xf32, #tpu.memory_space<vmem>>
    %dma_wait3A_54 = arith.constant 0 : i32
    %dma_wait3A_55 = tpu.memref_slice %arg5[%dma_wait3A_54] : memref<672xi32, #tpu.memory_space<vmem>> -> memref<128xi32, #tpu.memory_space<vmem>>
    %dma_wait3A_56 = arith.constant 0 : i32
    %dma_wait3A_57 = arith.constant 0 : i32
    %dma_wait3A_58 = tpu.memref_slice %arg2[%dma_wait3A_56, %dma_wait3A_57] : memref<100000x64xf32, #tpu.memory_space<hbm>> -> memref<100000x64xf32, #tpu.memory_space<hbm>>
    tpu.wait_indirect_dma semaphore(%arg7 : memref<!tpu.dma_semaphore, #tpu.memory_space<semaphore_mem>>) src(%dma_wait3A_58 : memref<100000x64xf32, #tpu.memory_space<hbm>>) dst(%dma_wait3A_53 : memref<128x64xf32, #tpu.memory_space<vmem>>)
    %dma_wait3A_59 = arith.constant 128 : i32
    %dma_wait3A_60 = arith.constant 0 : i32
    %dma_wait3A_61 = tpu.memref_slice %arg6[%dma_wait3A_59, %dma_wait3A_60] : memref<672x64xf32, #tpu.memory_space<vmem>> -> memref<128x64xf32, #tpu.memory_space<vmem>>
    %dma_wait3A_62 = arith.constant 128 : i32
    %dma_wait3A_63 = tpu.memref_slice %arg5[%dma_wait3A_62] : memref<672xi32, #tpu.memory_space<vmem>> -> memref<128xi32, #tpu.memory_space<vmem>>
    %dma_wait3A_64 = arith.constant 0 : i32
    %dma_wait3A_65 = arith.constant 0 : i32
    %dma_wait3A_66 = tpu.memref_slice %arg2[%dma_wait3A_64, %dma_wait3A_65] : memref<100000x64xf32, #tpu.memory_space<hbm>> -> memref<100000x64xf32, #tpu.memory_space<hbm>>
    tpu.wait_indirect_dma semaphore(%arg7 : memref<!tpu.dma_semaphore, #tpu.memory_space<semaphore_mem>>) src(%dma_wait3A_66 : memref<100000x64xf32, #tpu.memory_space<hbm>>) dst(%dma_wait3A_61 : memref<128x64xf32, #tpu.memory_space<vmem>>)
    %dma_wait3A_67 = arith.constant 256 : i32
    %dma_wait3A_68 = arith.constant 0 : i32
    %dma_wait3A_69 = tpu.memref_slice %arg6[%dma_wait3A_67, %dma_wait3A_68] : memref<672x64xf32, #tpu.memory_space<vmem>> -> memref<128x64xf32, #tpu.memory_space<vmem>>
    %dma_wait3A_70 = arith.constant 256 : i32
    %dma_wait3A_71 = tpu.memref_slice %arg5[%dma_wait3A_70] : memref<672xi32, #tpu.memory_space<vmem>> -> memref<128xi32, #tpu.memory_space<vmem>>
    %dma_wait3A_72 = arith.constant 0 : i32
    %dma_wait3A_73 = arith.constant 0 : i32
    %dma_wait3A_74 = tpu.memref_slice %arg2[%dma_wait3A_72, %dma_wait3A_73] : memref<100000x64xf32, #tpu.memory_space<hbm>> -> memref<100000x64xf32, #tpu.memory_space<hbm>>
    tpu.wait_indirect_dma semaphore(%arg7 : memref<!tpu.dma_semaphore, #tpu.memory_space<semaphore_mem>>) src(%dma_wait3A_74 : memref<100000x64xf32, #tpu.memory_space<hbm>>) dst(%dma_wait3A_69 : memref<128x64xf32, #tpu.memory_space<vmem>>)
    %dma_wait3A_75 = arith.constant 384 : i32
    %dma_wait3A_76 = arith.constant 0 : i32
    %dma_wait3A_77 = tpu.memref_slice %arg6[%dma_wait3A_75, %dma_wait3A_76] : memref<672x64xf32, #tpu.memory_space<vmem>> -> memref<128x64xf32, #tpu.memory_space<vmem>>
    %dma_wait3A_78 = arith.constant 384 : i32
    %dma_wait3A_79 = tpu.memref_slice %arg5[%dma_wait3A_78] : memref<672xi32, #tpu.memory_space<vmem>> -> memref<128xi32, #tpu.memory_space<vmem>>
    %dma_wait3A_80 = arith.constant 0 : i32
    %dma_wait3A_81 = arith.constant 0 : i32
    %dma_wait3A_82 = tpu.memref_slice %arg2[%dma_wait3A_80, %dma_wait3A_81] : memref<100000x64xf32, #tpu.memory_space<hbm>> -> memref<100000x64xf32, #tpu.memory_space<hbm>>
    tpu.wait_indirect_dma semaphore(%arg7 : memref<!tpu.dma_semaphore, #tpu.memory_space<semaphore_mem>>) src(%dma_wait3A_82 : memref<100000x64xf32, #tpu.memory_space<hbm>>) dst(%dma_wait3A_77 : memref<128x64xf32, #tpu.memory_space<vmem>>)
    %dma_wait3A_83 = arith.constant 512 : i32
    %dma_wait3A_84 = arith.constant 0 : i32
    %dma_wait3A_85 = tpu.memref_slice %arg6[%dma_wait3A_83, %dma_wait3A_84] : memref<672x64xf32, #tpu.memory_space<vmem>> -> memref<128x64xf32, #tpu.memory_space<vmem>>
    %dma_wait3A_86 = arith.constant 512 : i32
    %dma_wait3A_87 = tpu.memref_slice %arg5[%dma_wait3A_86] : memref<672xi32, #tpu.memory_space<vmem>> -> memref<128xi32, #tpu.memory_space<vmem>>
    %dma_wait3A_88 = arith.constant 0 : i32
    %dma_wait3A_89 = arith.constant 0 : i32
    %dma_wait3A_90 = tpu.memref_slice %arg2[%dma_wait3A_88, %dma_wait3A_89] : memref<100000x64xf32, #tpu.memory_space<hbm>> -> memref<100000x64xf32, #tpu.memory_space<hbm>>
    tpu.wait_indirect_dma semaphore(%arg7 : memref<!tpu.dma_semaphore, #tpu.memory_space<semaphore_mem>>) src(%dma_wait3A_90 : memref<100000x64xf32, #tpu.memory_space<hbm>>) dst(%dma_wait3A_85 : memref<128x64xf32, #tpu.memory_space<vmem>>)
    %dma_wait3A_91 = arith.constant 640 : i32
    %dma_wait3A_92 = arith.constant 0 : i32
    %dma_wait3A_93 = tpu.memref_slice %arg6[%dma_wait3A_91, %dma_wait3A_92] : memref<672x64xf32, #tpu.memory_space<vmem>> -> memref<32x64xf32, #tpu.memory_space<vmem>>
    %dma_wait3A_94 = arith.constant 640 : i32
    %dma_wait3A_95 = tpu.memref_slice %arg5[%dma_wait3A_94] : memref<672xi32, #tpu.memory_space<vmem>> -> memref<32xi32, #tpu.memory_space<vmem>>
    %dma_wait3A_96 = arith.constant 0 : i32
    %dma_wait3A_97 = arith.constant 0 : i32
    %dma_wait3A_98 = tpu.memref_slice %arg2[%dma_wait3A_96, %dma_wait3A_97] : memref<100000x64xf32, #tpu.memory_space<hbm>> -> memref<100000x64xf32, #tpu.memory_space<hbm>>
    tpu.wait_indirect_dma semaphore(%arg7 : memref<!tpu.dma_semaphore, #tpu.memory_space<semaphore_mem>>) src(%dma_wait3A_98 : memref<100000x64xf32, #tpu.memory_space<hbm>>) dst(%dma_wait3A_93 : memref<32x64xf32, #tpu.memory_space<vmem>>)
    %dma_start3A_99 = arith.constant 0 : i32
    %dma_start3A_100 = arith.constant 0 : i32
    %dma_start3A_101 = tpu.memref_slice %arg6[%dma_start3A_99, %dma_start3A_100] : memref<672x64xf32, #tpu.memory_space<vmem>> -> memref<336x64xf32, #tpu.memory_space<vmem>>
    %dma_start3A_102 = arith.constant 0 : i32
    %dma_start3A_103 = tpu.memref_slice %arg4[%mul3A_4, %dma_start3A_102] : memref<10752x128xf32, #tpu.memory_space<hbm>> -> memref<336x64xf32, #tpu.memory_space<hbm>>
    %dma_start3A_104 = arith.constant 0 : i32
    %dma_start3A_105 = tpu.memref_slice %arg4[%mul3A_4, %dma_start3A_104] : memref<10752x128xf32, #tpu.memory_space<hbm>> -> memref<336x64xf32, #tpu.memory_space<hbm>>
    %dma_start3A_106 = arith.constant 0 : i32
    %dma_start3A_107 = arith.constant 0 : i32
    %dma_start3A_108 = tpu.memref_slice %arg6[%dma_start3A_106, %dma_start3A_107] : memref<672x64xf32, #tpu.memory_space<vmem>> -> memref<336x64xf32, #tpu.memory_space<vmem>>
    tpu.enqueue_dma source(%dma_start3A_108 : memref<336x64xf32, #tpu.memory_space<vmem>>) target(%dma_start3A_105 : memref<336x64xf32, #tpu.memory_space<hbm>>) target_semaphore(%arg8 : memref<!tpu.dma_semaphore, #tpu.memory_space<semaphore_mem>>)
    %dma_start3A_109 = arith.constant 336 : i32
    %dma_start3A_110 = arith.constant 0 : i32
    %dma_start3A_111 = tpu.memref_slice %arg6[%dma_start3A_109, %dma_start3A_110] : memref<672x64xf32, #tpu.memory_space<vmem>> -> memref<336x64xf32, #tpu.memory_space<vmem>>
    %dma_start3A_112 = arith.constant 64 : i32
    %dma_start3A_113 = tpu.memref_slice %arg4[%mul3A_4, %dma_start3A_112] : memref<10752x128xf32, #tpu.memory_space<hbm>> -> memref<336x64xf32, #tpu.memory_space<hbm>>
    %dma_start3A_114 = arith.constant 64 : i32
    %dma_start3A_115 = tpu.memref_slice %arg4[%mul3A_4, %dma_start3A_114] : memref<10752x128xf32, #tpu.memory_space<hbm>> -> memref<336x64xf32, #tpu.memory_space<hbm>>
    %dma_start3A_116 = arith.constant 336 : i32
    %dma_start3A_117 = arith.constant 0 : i32
    %dma_start3A_118 = tpu.memref_slice %arg6[%dma_start3A_116, %dma_start3A_117] : memref<672x64xf32, #tpu.memory_space<vmem>> -> memref<336x64xf32, #tpu.memory_space<vmem>>
    tpu.enqueue_dma source(%dma_start3A_118 : memref<336x64xf32, #tpu.memory_space<vmem>>) target(%dma_start3A_115 : memref<336x64xf32, #tpu.memory_space<hbm>>) target_semaphore(%arg8 : memref<!tpu.dma_semaphore, #tpu.memory_space<semaphore_mem>>)
    %dma_wait3A_119 = arith.constant 0 : i32
    %dma_wait3A_120 = arith.constant 0 : i32
    %dma_wait3A_121 = tpu.memref_slice %arg6[%dma_wait3A_119, %dma_wait3A_120] : memref<672x64xf32, #tpu.memory_space<vmem>> -> memref<336x64xf32, #tpu.memory_space<vmem>>
    %dma_wait3A_122 = arith.constant 0 : i32
    %dma_wait3A_123 = tpu.memref_slice %arg4[%mul3A_4, %dma_wait3A_122] : memref<10752x128xf32, #tpu.memory_space<hbm>> -> memref<336x64xf32, #tpu.memory_space<hbm>>
    %dma_wait3A_124 = arith.constant 0 : i32
    %dma_wait3A_125 = tpu.memref_slice %arg4[%mul3A_4, %dma_wait3A_124] : memref<10752x128xf32, #tpu.memory_space<hbm>> -> memref<336x64xf32, #tpu.memory_space<hbm>>
    %dma_wait3A_126 = arith.constant 0 : i32
    %dma_wait3A_127 = arith.constant 0 : i32
    %dma_wait3A_128 = tpu.memref_slice %arg6[%dma_wait3A_126, %dma_wait3A_127] : memref<672x64xf32, #tpu.memory_space<vmem>> -> memref<336x64xf32, #tpu.memory_space<vmem>>
    tpu.wait_dma2 semaphore(%arg8 : memref<!tpu.dma_semaphore, #tpu.memory_space<semaphore_mem>>) src(%dma_wait3A_128 : memref<336x64xf32, #tpu.memory_space<vmem>>) dst(%dma_wait3A_125 : memref<336x64xf32, #tpu.memory_space<hbm>>)
    %dma_wait3A_129 = arith.constant 336 : i32
    %dma_wait3A_130 = arith.constant 0 : i32
    %dma_wait3A_131 = tpu.memref_slice %arg6[%dma_wait3A_129, %dma_wait3A_130] : memref<672x64xf32, #tpu.memory_space<vmem>> -> memref<336x64xf32, #tpu.memory_space<vmem>>
    %dma_wait3A_132 = arith.constant 64 : i32
    %dma_wait3A_133 = tpu.memref_slice %arg4[%mul3A_4, %dma_wait3A_132] : memref<10752x128xf32, #tpu.memory_space<hbm>> -> memref<336x64xf32, #tpu.memory_space<hbm>>
    %dma_wait3A_134 = arith.constant 64 : i32
    %dma_wait3A_135 = tpu.memref_slice %arg4[%mul3A_4, %dma_wait3A_134] : memref<10752x128xf32, #tpu.memory_space<hbm>> -> memref<336x64xf32, #tpu.memory_space<hbm>>
    %dma_wait3A_136 = arith.constant 336 : i32
    %dma_wait3A_137 = arith.constant 0 : i32
    %dma_wait3A_138 = tpu.memref_slice %arg6[%dma_wait3A_136, %dma_wait3A_137] : memref<672x64xf32, #tpu.memory_space<vmem>> -> memref<336x64xf32, #tpu.memory_space<vmem>>
    tpu.wait_dma2 semaphore(%arg8 : memref<!tpu.dma_semaphore, #tpu.memory_space<semaphore_mem>>) src(%dma_wait3A_138 : memref<336x64xf32, #tpu.memory_space<vmem>>) dst(%dma_wait3A_135 : memref<336x64xf32, #tpu.memory_space<hbm>>)
    return
  }
}

module attributes {stable_mosaic.version = 14 : i64} {
  func.func @_tc_body(%arg0: i32, %arg1: memref<336x128xf32, #tpu.memory_space<vmem>>, %arg2: memref<336x128xf32, #tpu.memory_space<vmem>>, %arg3: memref<336x128xf32, #tpu.memory_space<vmem>>, %arg4: memref<256x128xf32, #tpu.memory_space<vmem>>, %arg5: memref<256x128xf32, #tpu.memory_space<vmem>>, %arg6: memref<256x128xf32, #tpu.memory_space<vmem>>, %arg7: memref<1x2x336xf32, #tpu.memory_space<vmem>>, %arg8: memref<1x2x336xf32, #tpu.memory_space<vmem>>) attributes {dimension_semantics = [#tpu.dimension_semantics<arbitrary>], iteration_bounds = array<i64: 32>, scalar_prefetch = 0 : i64, scratch_operands = 0 : i64, tpu.core_type = #tpu.core_type<tc>, window_params = [{transform_indices = @transform_0, window_bounds = array<i64: 336, 128>}, {transform_indices = @transform_1, window_bounds = array<i64: 336, 128>}, {transform_indices = @transform_2, window_bounds = array<i64: 336, 128>}, {transform_indices = @transform_3, window_bounds = array<i64: 256, 128>}, {transform_indices = @transform_4, window_bounds = array<i64: 256, 128>}, {transform_indices = @transform_5, window_bounds = array<i64: 256, 128>}, {transform_indices = @transform_6, window_bounds = array<i64: 1, 2, 336>}, {transform_indices = @transform_7, window_bounds = array<i64: 1, 2, 336>}]} {
    %iota3A = tpu.iota {dimensions = array<i32: 1>} : vector<336x256xi32>
    %lt3A = arith.constant 200 : i32
    %lt3A_0 = vector.broadcast %lt3A : i32 to vector<336x256xi32>
    %lt3A_1 = arith.cmpi slt, %iota3A, %lt3A_0 : vector<336x256xi32>
    %broadcast_in_dim3A = arith.constant 0.000000e+00 : f32
    %broadcast_in_dim3A_2 = vector.broadcast %broadcast_in_dim3A : f32 to vector<336x256xf32>
    %broadcast_in_dim3A_3 = arith.constant 0.000000e+00 : f32
    %broadcast_in_dim3A_4 = vector.broadcast %broadcast_in_dim3A_3 : f32 to vector<336x256xf32>
    %broadcast_in_dim3A_5 = arith.constant 0.000000e+00 : f32
    %broadcast_in_dim3A_6 = vector.broadcast %broadcast_in_dim3A_5 : f32 to vector<336xf32>
    %broadcast_in_dim3A_7 = arith.constant 0.000000e+00 : f32
    %broadcast_in_dim3A_8 = vector.broadcast %broadcast_in_dim3A_7 : f32 to vector<336xf32>
    %get3A = arith.constant 0 : index
    %get3A_9 = arith.constant 0 : index
    %get3A_10 = vector.load %arg1[%get3A, %get3A_9] : memref<336x128xf32, #tpu.memory_space<vmem>>, vector<336x128xf32>
    %get3A_11 = arith.constant 0 : index
    %get3A_12 = arith.constant 0 : index
    %get3A_13 = vector.load %arg4[%get3A_11, %get3A_12] : memref<256x128xf32, #tpu.memory_space<vmem>>, vector<256x128xf32>
    %slice3A = vector.extract_strided_slice %get3A_13 {offsets = [0, 0], sizes = [256, 64], strides = [1, 1]} : vector<256x128xf32> to vector<256x64xf32>
    %slice3A_14 = vector.extract_strided_slice %get3A_10 {offsets = [0, 0], sizes = [336, 64], strides = [1, 1]} : vector<336x128xf32> to vector<336x64xf32>
    %slice3A_15 = vector.extract_strided_slice %get3A_10 {offsets = [0, 64], sizes = [336, 64], strides = [1, 1]} : vector<336x128xf32> to vector<336x64xf32>
    %dot_general3A = arith.constant dense<0.000000e+00> : vector<336x256xf32>
    %dot_general3A_16 = tpu.matmul %slice3A_14, %slice3A, %dot_general3A {dimension_numbers = #tpu.dot_dimension_numbers<[1], [1], [0], [0], [0, 0, 1, 0], [], []>, transpose_lhs_hint = false} : vector<336x64xf32>, vector<256x64xf32>, vector<336x256xf32> -> vector<336x256xf32>
    %add3A = arith.addf %broadcast_in_dim3A_2, %dot_general3A_16 : vector<336x256xf32>
    %dot_general3A_17 = arith.constant dense<0.000000e+00> : vector<336x256xf32>
    %dot_general3A_18 = tpu.matmul %slice3A_15, %slice3A, %dot_general3A_17 {dimension_numbers = #tpu.dot_dimension_numbers<[1], [1], [0], [0], [0, 0, 1, 0], [], []>, transpose_lhs_hint = false} : vector<336x64xf32>, vector<256x64xf32>, vector<336x256xf32> -> vector<336x256xf32>
    %add3A_19 = arith.addf %broadcast_in_dim3A_4, %dot_general3A_18 : vector<336x256xf32>
    %mul3A = arith.mulf %slice3A_14, %slice3A_14 : vector<336x64xf32>
    %reduce_sum3A = arith.constant dense<0.000000e+00> : vector<336xf32>
    %reduce_sum3A_20 = vector.multi_reduction <add>, %mul3A, %reduce_sum3A [1] : vector<336x64xf32> to vector<336xf32>
    %add3A_21 = arith.addf %broadcast_in_dim3A_6, %reduce_sum3A_20 : vector<336xf32>
    %mul3A_22 = arith.mulf %slice3A_15, %slice3A_15 : vector<336x64xf32>
    %reduce_sum3A_23 = arith.constant dense<0.000000e+00> : vector<336xf32>
    %reduce_sum3A_24 = vector.multi_reduction <add>, %mul3A_22, %reduce_sum3A_23 [1] : vector<336x64xf32> to vector<336xf32>
    %add3A_25 = arith.addf %broadcast_in_dim3A_8, %reduce_sum3A_24 : vector<336xf32>
    %get3A_26 = arith.constant 0 : index
    %get3A_27 = arith.constant 0 : index
    %get3A_28 = vector.load %arg2[%get3A_26, %get3A_27] : memref<336x128xf32, #tpu.memory_space<vmem>>, vector<336x128xf32>
    %get3A_29 = arith.constant 0 : index
    %get3A_30 = arith.constant 0 : index
    %get3A_31 = vector.load %arg5[%get3A_29, %get3A_30] : memref<256x128xf32, #tpu.memory_space<vmem>>, vector<256x128xf32>
    %slice3A_32 = vector.extract_strided_slice %get3A_31 {offsets = [0, 0], sizes = [256, 64], strides = [1, 1]} : vector<256x128xf32> to vector<256x64xf32>
    %slice3A_33 = vector.extract_strided_slice %get3A_28 {offsets = [0, 0], sizes = [336, 64], strides = [1, 1]} : vector<336x128xf32> to vector<336x64xf32>
    %slice3A_34 = vector.extract_strided_slice %get3A_28 {offsets = [0, 64], sizes = [336, 64], strides = [1, 1]} : vector<336x128xf32> to vector<336x64xf32>
    %dot_general3A_35 = arith.constant dense<0.000000e+00> : vector<336x256xf32>
    %dot_general3A_36 = tpu.matmul %slice3A_33, %slice3A_32, %dot_general3A_35 {dimension_numbers = #tpu.dot_dimension_numbers<[1], [1], [0], [0], [0, 0, 1, 0], [], []>, transpose_lhs_hint = false} : vector<336x64xf32>, vector<256x64xf32>, vector<336x256xf32> -> vector<336x256xf32>
    %add3A_37 = arith.addf %add3A, %dot_general3A_36 : vector<336x256xf32>
    %dot_general3A_38 = arith.constant dense<0.000000e+00> : vector<336x256xf32>
    %dot_general3A_39 = tpu.matmul %slice3A_34, %slice3A_32, %dot_general3A_38 {dimension_numbers = #tpu.dot_dimension_numbers<[1], [1], [0], [0], [0, 0, 1, 0], [], []>, transpose_lhs_hint = false} : vector<336x64xf32>, vector<256x64xf32>, vector<336x256xf32> -> vector<336x256xf32>
    %add3A_40 = arith.addf %add3A_19, %dot_general3A_39 : vector<336x256xf32>
    %mul3A_41 = arith.mulf %slice3A_33, %slice3A_33 : vector<336x64xf32>
    %reduce_sum3A_42 = arith.constant dense<0.000000e+00> : vector<336xf32>
    %reduce_sum3A_43 = vector.multi_reduction <add>, %mul3A_41, %reduce_sum3A_42 [1] : vector<336x64xf32> to vector<336xf32>
    %add3A_44 = arith.addf %add3A_21, %reduce_sum3A_43 : vector<336xf32>
    %mul3A_45 = arith.mulf %slice3A_34, %slice3A_34 : vector<336x64xf32>
    %reduce_sum3A_46 = arith.constant dense<0.000000e+00> : vector<336xf32>
    %reduce_sum3A_47 = vector.multi_reduction <add>, %mul3A_45, %reduce_sum3A_46 [1] : vector<336x64xf32> to vector<336xf32>
    %add3A_48 = arith.addf %add3A_25, %reduce_sum3A_47 : vector<336xf32>
    %get3A_49 = arith.constant 0 : index
    %get3A_50 = arith.constant 0 : index
    %get3A_51 = vector.load %arg3[%get3A_49, %get3A_50] : memref<336x128xf32, #tpu.memory_space<vmem>>, vector<336x128xf32>
    %get3A_52 = arith.constant 0 : index
    %get3A_53 = arith.constant 0 : index
    %get3A_54 = vector.load %arg6[%get3A_52, %get3A_53] : memref<256x128xf32, #tpu.memory_space<vmem>>, vector<256x128xf32>
    %slice3A_55 = vector.extract_strided_slice %get3A_54 {offsets = [0, 0], sizes = [256, 64], strides = [1, 1]} : vector<256x128xf32> to vector<256x64xf32>
    %slice3A_56 = vector.extract_strided_slice %get3A_51 {offsets = [0, 0], sizes = [336, 64], strides = [1, 1]} : vector<336x128xf32> to vector<336x64xf32>
    %slice3A_57 = vector.extract_strided_slice %get3A_51 {offsets = [0, 64], sizes = [336, 64], strides = [1, 1]} : vector<336x128xf32> to vector<336x64xf32>
    %dot_general3A_58 = arith.constant dense<0.000000e+00> : vector<336x256xf32>
    %dot_general3A_59 = tpu.matmul %slice3A_56, %slice3A_55, %dot_general3A_58 {dimension_numbers = #tpu.dot_dimension_numbers<[1], [1], [0], [0], [0, 0, 1, 0], [], []>, transpose_lhs_hint = false} : vector<336x64xf32>, vector<256x64xf32>, vector<336x256xf32> -> vector<336x256xf32>
    %add3A_60 = arith.addf %add3A_37, %dot_general3A_59 : vector<336x256xf32>
    %dot_general3A_61 = arith.constant dense<0.000000e+00> : vector<336x256xf32>
    %dot_general3A_62 = tpu.matmul %slice3A_57, %slice3A_55, %dot_general3A_61 {dimension_numbers = #tpu.dot_dimension_numbers<[1], [1], [0], [0], [0, 0, 1, 0], [], []>, transpose_lhs_hint = false} : vector<336x64xf32>, vector<256x64xf32>, vector<336x256xf32> -> vector<336x256xf32>
    %add3A_63 = arith.addf %add3A_40, %dot_general3A_62 : vector<336x256xf32>
    %mul3A_64 = arith.mulf %slice3A_56, %slice3A_56 : vector<336x64xf32>
    %reduce_sum3A_65 = arith.constant dense<0.000000e+00> : vector<336xf32>
    %reduce_sum3A_66 = vector.multi_reduction <add>, %mul3A_64, %reduce_sum3A_65 [1] : vector<336x64xf32> to vector<336xf32>
    %add3A_67 = arith.addf %add3A_44, %reduce_sum3A_66 : vector<336xf32>
    %mul3A_68 = arith.mulf %slice3A_57, %slice3A_57 : vector<336x64xf32>
    %reduce_sum3A_69 = arith.constant dense<0.000000e+00> : vector<336xf32>
    %reduce_sum3A_70 = vector.multi_reduction <add>, %mul3A_68, %reduce_sum3A_69 [1] : vector<336x64xf32> to vector<336xf32>
    %add3A_71 = arith.addf %add3A_48, %reduce_sum3A_70 : vector<336xf32>
    %jit3A = arith.constant 0xFF800000 : f32
    %broadcast_in_dim3A_72 = vector.broadcast %jit3A : f32 to vector<336x256xf32>
    %select_n3A = arith.select %lt3A_1, %add3A_60, %broadcast_in_dim3A_72 : vector<336x256xi1>, vector<336x256xf32>
    %jit3A_73 = arith.constant 0xFF800000 : f32
    %broadcast_in_dim3A_74 = vector.broadcast %jit3A_73 : f32 to vector<336x256xf32>
    %select_n3A_75 = arith.select %lt3A_1, %add3A_63, %broadcast_in_dim3A_74 : vector<336x256xi1>, vector<336x256xf32>
    %reduce_max3A = arith.constant dense<0xFF800000> : vector<336xf32>
    %reduce_max3A_76 = vector.multi_reduction <maximumf>, %select_n3A, %reduce_max3A [1] : vector<336x256xf32> to vector<336xf32>
    %reduce_max3A_77 = arith.constant dense<0xFF800000> : vector<336xf32>
    %reduce_max3A_78 = vector.multi_reduction <maximumf>, %select_n3A_75, %reduce_max3A_77 [1] : vector<336x256xf32> to vector<336xf32>
    %stack3A = vector.shape_cast %reduce_max3A_76 : vector<336xf32> to vector<1x336xf32>
    %stack3A_79 = vector.shape_cast %reduce_max3A_78 : vector<336xf32> to vector<1x336xf32>
    %stack3A_80 = tpu.concatenate %stack3A, %stack3A_79 in 0 : vector<1x336xf32>, vector<1x336xf32> -> vector<2x336xf32>
    %broadcast_in_dim3A_81 = vector.shape_cast %stack3A_80 : vector<2x336xf32> to vector<1x2x336xf32>
    %swap3A = arith.constant 0 : index
    %swap3A_82 = arith.constant 0 : index
    %swap3A_83 = arith.constant 0 : index
    %swap3A_84 = vector.load %arg7[%swap3A, %swap3A_82, %swap3A_83] : memref<1x2x336xf32, #tpu.memory_space<vmem>>, vector<1x2x336xf32>
    tpu.vector_store %arg7[%swap3A, %swap3A_82, %swap3A_83], %broadcast_in_dim3A_81 {strides = array<i32>} : memref<1x2x336xf32, #tpu.memory_space<vmem>>, vector<1x2x336xf32>,
    %sqrt3A = math.sqrt %add3A_67 : vector<336xf32>
    %sqrt3A_85 = math.sqrt %add3A_71 : vector<336xf32>
    %stack3A_86 = vector.shape_cast %sqrt3A : vector<336xf32> to vector<1x336xf32>
    %stack3A_87 = vector.shape_cast %sqrt3A_85 : vector<336xf32> to vector<1x336xf32>
    %stack3A_88 = tpu.concatenate %stack3A_86, %stack3A_87 in 0 : vector<1x336xf32>, vector<1x336xf32> -> vector<2x336xf32>
    %broadcast_in_dim3A_89 = vector.shape_cast %stack3A_88 : vector<2x336xf32> to vector<1x2x336xf32>
    %swap3A_90 = arith.constant 0 : index
    %swap3A_91 = arith.constant 0 : index
    %swap3A_92 = arith.constant 0 : index
    %swap3A_93 = vector.load %arg8[%swap3A_90, %swap3A_91, %swap3A_92] : memref<1x2x336xf32, #tpu.memory_space<vmem>>, vector<1x2x336xf32>
    tpu.vector_store %arg8[%swap3A_90, %swap3A_91, %swap3A_92], %broadcast_in_dim3A_89 {strides = array<i32>} : memref<1x2x336xf32, #tpu.memory_space<vmem>>, vector<1x2x336xf32>,
    return
  }
  func.func @transform_0(%arg0: i32) -> (i32, i32) {
    %c0_i32 = arith.constant 0 : i32
    %c0_i32_0 = arith.constant 0 : i32
    return %arg0, %c0_i32 : i32, i32
  }
  func.func @transform_1(%arg0: i32) -> (i32, i32) {
    %c0_i32 = arith.constant 0 : i32
    %c0_i32_0 = arith.constant 0 : i32
    return %arg0, %c0_i32 : i32, i32
  }
  func.func @transform_2(%arg0: i32) -> (i32, i32) {
    %c0_i32 = arith.constant 0 : i32
    %c0_i32_0 = arith.constant 0 : i32
    return %arg0, %c0_i32 : i32, i32
  }
  func.func @transform_3(%arg0: i32) -> (i32, i32) {
    %c0_i32 = arith.constant 0 : i32
    %c0_i32_0 = arith.constant 0 : i32
    %c0_i32_1 = arith.constant 0 : i32
    return %c0_i32, %c0_i32_0 : i32, i32
  }
  func.func @transform_4(%arg0: i32) -> (i32, i32) {
    %c0_i32 = arith.constant 0 : i32
    %c0_i32_0 = arith.constant 0 : i32
    %c0_i32_1 = arith.constant 0 : i32
    return %c0_i32, %c0_i32_0 : i32, i32
  }
  func.func @transform_5(%arg0: i32) -> (i32, i32) {
    %c0_i32 = arith.constant 0 : i32
    %c0_i32_0 = arith.constant 0 : i32
    %c0_i32_1 = arith.constant 0 : i32
    return %c0_i32, %c0_i32_0 : i32, i32
  }
  func.func @transform_6(%arg0: i32) -> (i32, i32, i32) {
    %c0_i32 = arith.constant 0 : i32
    %c0_i32_0 = arith.constant 0 : i32
    %c0_i32_1 = arith.constant 0 : i32
    return %arg0, %c0_i32, %c0_i32_0 : i32, i32, i32
  }
  func.func @transform_7(%arg0: i32) -> (i32, i32, i32) {
    %c0_i32 = arith.constant 0 : i32
    %c0_i32_0 = arith.constant 0 : i32
    %c0_i32_1 = arith.constant 0 : i32
    return %arg0, %c0_i32, %c0_i32_0 : i32, i32, i32
  }
}

</mosaic_0001>

<sc_bundles>
// kernel: kernel.12.cloned.1.call-start
scs
__scs_entry_jumppad:
0x0: {  	(pc) =	sbr.rel $0x88, $3  }
0x1: {  	(tag) =	ssettag $0x0;
	lr =	simm.s32 $0x1  }
0x2: {  	[smem:$0x3F95] =	sst lr;
	_ =	strace $0xD0000000  }
0x3: {  	_ = 	snop  }
0x4: {  	_ = 	snop  }
0x5: {  	_ = 	snop  }
0x6: {  	_ = 	snop  }
0x7: {  	_ = 	snop  }
__scs_overlays_trampoline_lowered:
0x8: {  	[smem:$0x3FA4] =	sst s0  }
0x9: {  	[smem:$0x3FA5] =	sst s1  }
0xa: {  	[smem:$0x3FA6] =	sst s2  }
0xb: {  	[smem:$0x3FA7] =	sst s3  }
0xc: {  	[smem:$0x3FA8] =	sst s4  }
0xd: {  	[smem:$0x3FA9] =	sst s5  }
0xe: {  	[smem:$0x3FAA] =	sst s6  }
0xf: {  	[smem:$0x3FAB] =	sst s7  }
0x10: {  	[smem:$0x3FAC] =	sst s8  }
0x11: {  	[smem:$0x3FAD] =	sst s9;
	s0 =	simm.s32 @!p0 $0x0  }
0x12: {  	s1 =	sld [smem:$0x3F93];
	s0 =	simm.s32 @p0 $0x1  }
0x13: {  	[smem:$0x3FAE] =	sst s0;
	s0 =	simm.s32 @!p1 $0x0  }
0x14: {  	s2 =	sld [smem:$0x3F92];
	s0 =	simm.s32 @p1 $0x1  }
0x15: {  	[smem:$0x3FAF] =	sst s0;
	s0 =	simm.s32 @!p2 $0x0  }
0x16: {  	s3 =	sld [smem:$0x3FDB];
	s0 =	simm.s32 @p2 $0x1  }
0x17: {  	s4 =	simm.s32 $0x1BF5;
	[smem:$0x3FB1] =	sst s0  }
0x18: {  	s0 =	sld [smem:$0x3F94];
	_ =	swait.ge [sflag:s4], $0x0  }
0x19: {  	s7 =	sld [smem:$0x3F95]  }
0x1a: {  	s8 =	sadd.s32 $0xFFFFE003, lr  }
0x1b: {  	s9 =	sadd.s32 $0xFFFFFEF7, lr;
	s5 =	simm.s32 $0xFFFFFFFF;
	p2 =	slt.u32 s8, $0xFFFFF086  }
0x1c: {  	p1 =	slt.u32 s9, $0xF7A;
	s5 =	simm.s32 @!p2 $0x0  }
0x1d: {  	s5 =	simm.s32 @p1 $0x1;
	p0 =	seq.s32 s7, s2  }
0x1e: {  	s7 =	smul.u32 @!p0 $0xF7A, s2;
	p2 =	seq.s32 @!p0 s5, $0x0  }
0x1f: {  	s9 =	smul.u32 $0xF7A, s1;
	s8 =	simm.s32 @!p0 $0x1BF5;
	p2 =	por !p2, p0  }
0x20: {  	[sflag:s8] =	ssyncset.s32 @!p0 $0xFFFFF086;
	s6 =	sadd.s32 @!p0 s3, s7;
	s7 =	simm.s32 @!p0 $0x108  }
0x21: {  	s3 =	sadd.s32 s3, s9;
	s6 =	sadd.s32 @!p0 $0x88, s6;
	s7 =	simm.s32 @p2 $0x1082  }
0x22: {  	[simem:s7], [sflag:s8] =	dma.local @!p0 [hbm:s6], $0xF7A  }
0x23: {  	s9 =	sor.u32 $0xD0000000, s2;
	s6 =	simm.s32 $0x108;
	_ =	swait.ge @!p0 [sflag:s8], $0x0  }
0x24: {  	s3 =	sadd.s32 $0x88, s3;
	s6 =	simm.s32 @!p1 $0x1082;
	[sflag:s4] =	ssyncset.s32 $0xFFFFF086  }
0x25: {  	[simem:s6], [sflag:s4] =	dma.local [hbm:s3], $0xF7A  }
0x26: {  	[smem:$0x3F95] =	sst s1;
	(tag) =	ssettag s2;
	_ =	strace s9  }
0x27: {  	s1 =	sld [smem:$0x3FA5]  }
0x28: {  	s2 =	sld [smem:$0x3FA6]  }
0x29: {  	s4 =	sld [smem:$0x3FA8]  }
0x2a: {  	p0 =	seq.s32 s5, $0x0;
	s5 =	sld [smem:$0x3FA9]  }
0x2b: {  	s6 =	sld [smem:$0x3FAA]  }
0x2c: {  	s7 =	sld [smem:$0x3FAB]  }
0x2d: {  	s3 =	simm.s32 $0x108;
	s8 =	sld [smem:$0x3FAC]  }
0x2e: {  	s3 =	simm.s32 @!p0 $0x1082;
	s9 =	sld [smem:$0x3FAD]  }
0x2f: {  	lr =	sadd.s32 s0, s3;
	s0 =	sld [smem:$0x3FA4]  }
0x30: {  	s3 =	sld [smem:$0x3FA7]  }
0x31: {  	[smem:$0x3FB0] =	sst s10  }
0x32: {  	s10 =	sld [smem:$0x3FAE];
	_ =	sdelay $0x3  }
0x33: {  	p0 =	seq.s32 s10, $0x1;
	s10 =	sld [smem:$0x3FB0];
	_ =	sdelay $0x3  }
0x34: {  	[smem:$0x3FB0] =	sst s10  }
0x35: {  	s10 =	sld [smem:$0x3FAF];
	_ =	sdelay $0x3  }
0x36: {  	p1 =	seq.s32 s10, $0x1;
	s10 =	sld [smem:$0x3FB0];
	_ =	sdelay $0x3  }
0x37: {  	[smem:$0x3FB0] =	sst s10  }
0x38: {  	s10 =	sld [smem:$0x3FB1]  }
0x39: {  	_ = 	snop;
	(pc) =	sbr.ind lr, $3  }
0x3a: {  	_ = 	snop  }
0x3b: {  	_ = 	snop  }
0x3c: {  	p2 =	seq.s32 s10, $0x1;
	s10 =	sld [smem:$0x3FB0]  }
0x3d: {  	_ =	shalt  }
0x3e: {  	_ =	shalt  }
0x3f: {  	_ =	shalt  }
0x40: {  	_ =	shalt  }
0x41: {  	_ =	shalt  }
0x42: {  	_ =	shalt  }
0x43: {  	_ =	shalt  }
0x44: {  	_ =	shalt  }
0x45: {  	_ =	shalt  }
0x46: {  	_ =	shalt  }
0x47: {  	_ =	shalt  }
0x48: {  	_ =	shalt  }
0x49: {  	_ =	shalt  }
0x4a: {  	_ =	shalt  }
0x4b: {  	_ =	shalt  }
0x4c: {  	_ =	shalt  }
0x4d: {  	_ =	shalt  }
0x4e: {  	_ =	shalt  }
0x4f: {  	_ =	shalt  }
0x50: {  	_ =	shalt  }
0x51: {  	_ =	shalt  }
0x52: {  	_ =	shalt  }
0x53: {  	_ =	shalt  }
0x54: {  	_ =	shalt  }
0x55: {  	_ =	shalt  }
0x56: {  	_ =	shalt  }
0x57: {  	_ =	shalt  }
0x58: {  	_ =	shalt  }
0x59: {  	_ =	shalt  }
0x5a: {  	_ =	shalt  }
0x5b: {  	_ =	shalt  }
0x5c: {  	_ =	shalt  }
0x5d: {  	_ =	shalt  }
0x5e: {  	_ =	shalt  }
0x5f: {  	_ =	shalt  }
0x60: {  	_ =	shalt  }
0x61: {  	_ =	shalt  }
0x62: {  	_ =	shalt  }
0x63: {  	_ =	shalt  }
0x64: {  	_ =	shalt  }
0x65: {  	_ =	shalt  }
0x66: {  	_ =	shalt  }
0x67: {  	_ =	shalt  }
0x68: {  	_ =	shalt  }
0x69: {  	_ =	shalt  }
0x6a: {  	_ =	shalt  }
0x6b: {  	_ =	shalt  }
0x6c: {  	_ =	shalt  }
0x6d: {  	_ =	shalt  }
0x6e: {  	_ =	shalt  }
0x6f: {  	_ =	shalt  }
0x70: {  	_ =	shalt  }
0x71: {  	_ =	shalt  }
0x72: {  	_ =	shalt  }
0x73: {  	_ =	shalt  }
0x74: {  	_ =	shalt  }
0x75: {  	_ =	shalt  }
0x76: {  	_ =	shalt  }
0x77: {  	_ =	shalt  }
0x78: {  	_ =	shalt  }
0x79: {  	_ =	shalt  }
0x7a: {  	_ =	shalt  }
0x7b: {  	_ =	shalt  }
0x7c: {  	_ =	shalt  }
0x7d: {  	_ =	shalt  }
0x7e: {  	_ =	shalt  }
0x7f: {  	_ =	shalt  }
0x80: {  	_ =	shalt  }
0x81: {  	_ =	shalt  }
0x82: {  	_ =	shalt  }
0x83: {  	_ =	shalt  }
0x84: {  	_ =	shalt  }
0x85: {  	_ =	shalt  }
0x86: {  	_ =	shalt  }
0x87: {  	_ =	shalt  }
.Lfunc_end0:
.L_simem_size_0:
called_computation.2_lowered:
.L_overlay_start_0:
0x88: {  	s2 =	sld [smem:$0x3FD9]  }
0x89: {  	s3 =	sld [smem:$0x3FFE];
	_ =	sdelay $0x1  }
0x8a: {  	s1 =	srdreg.scid  }
0x8b: {  	s0 =	sand.u32 $0x1, s1  }
0x8c: {  	s16 =	sshll.u32 s0, $0xA;
	s2 =	sadd.s32 s3, s2  }
0x8d: {  	s2 =	sadd.s32 s2, s16  }
0x8e: {  	[smem:$0x3FBC] =	sst s2  }
0x8f: {  	_ = 	snop  }
0x90: {  	(tm) =	ssettm $0x1  }
0x91: {  	s17 =	sld [smem:$0x3FFB];
	_ =	sdelay $0x3  }
0x92: {  	_ =	strace s17  }
0x93: {  	s2 =	sld [smem:$0x3FFC];
	_ =	sdelay $0x3  }
0x94: {  	_ =	strace s2  }
0x95: {  	s2 =	sld [smem:$0x3FFD];
	_ =	sdelay $0x3  }
0x96: {  	_ =	strace s2  }
0x97: {  	_ =	strace $0x8FFFFFFF  }
0x98: {  	s18 =	sld [smem:$0x3FDB];
	_ =	sdelay $0x1  }
0x99: {  	s19 =	simm.s32 $_scs_section_size  }
0x9a: {  	s4 =	simm.s32 $_size__tile_overlayer_lowered;
	s5 =	simm.s32 $_tile_overlayer_lowered  }
0x9b: {  	s22 =	simm.s32 $0x1BFF;
	s21 =	sshll.u32 s5, $0x1;
	s2 =	sadd.s32 s19, s18  }
0x9c: {  	s6 =	simm.s32 $0x0;
	s20 =	sshll.u32 s4, $0x1;
	s4 =	sadd.s32 s21, s2  }
0x9d: {  	[timem:s6], [sflag:s22] =	dma.local [hbm:s4], s20  }
0x9e: {  	_ =	swait.ge [sflag:s22], s20  }
0x9f: {  	s3 =	ssub.s32 $0x0, s20;
	[sflag:s22] =	ssyncset.done $0x0  }
0xa0: {  	[sflag:s22] =	ssyncadd.s32 s3;
	_ =	sdelay $0x1  }
0xa1: {  	s23 =	simm.s32 $0x1B8B  }
0xa2: {  	_ =	swait.ge [sflag:s23], $0x1  }
0xa3: {  	[sflag:s23] =	ssyncset.done $0x0  }
0xa4: {  	s25 =	simm.s32 $0x1B8E;
	s24 =	sld [smem:$0x3FFE];
	[sflag:s23] =	ssyncadd.s32 $0xFFFFFFFF  }
0xa5: {  	s26 =	simm.s32 $execute0_lowered;
	[smem:$0x3FD2] =	sst s25  }
0xa6: {  	s4 =	sshll.u32 s26, $0x1;
	_ =	strace $0x80000046;
	[dreg:$0x1] =	wrdreg $0xFFFFFFFF  }
0xa7: {  	s28 =	simm.s32 $_size_execute0_lowered;
	s2 =	sadd.s32 s2, s4;
	[dreg:$0x0] =	wrdreg $0x0  }
0xa8: {  	s4 =	sshll.u32 s28, $0x1;
	[dreg:$0x2] =	wrdreg s2  }
0xa9: {  	[dreg:$0x3] =	wrdreg s4  }
0xaa: {  	[dreg:$0x4] =	wrdreg $0xC0  }
0xab: {  	_ =	task [dreg:s6], $0x5FFFF  }
0xac: {  	[dreg:$0x1] =	wrdreg $0xFFFFFFFF  }
0xad: {  	[dreg:$0x0] =	wrdreg $0x60  }
0xae: {  	[dreg:$0x2] =	wrdreg s24  }
0xaf: {  	[dreg:$0x3] =	wrdreg $0xB  }
0xb0: {  	_ =	task.clear_ibuf [dreg:s6], $0x4FFFF;
	_ =	strace $0x90000046  }
0xb1: {  	s29 =	simm.s32 $0xB;
	_ =	strace $0x80000048  }
0xb2: {  	_ =	swait.ge [sflag:s29], $0x1  }
0xb3: {  	[sflag:s29] =	ssyncadd.s32 $0xFFFFFFFF  }
0xb4: {  	_ =	strace $0x90000048  }
0xb5: {  	_ =	sfence  }
0xb6: {  	s30 =	sld [smem:$0x0];
	_ =	sdelay $0x2  }
0xb7: {  	s31 =	sshll.u32 s1, $0xD;
	s1 =	sshrl.u32 s1, $0x2  }
0xb8: {  	s3 =	sand.u32 $0x4000, s31;
	s1 =	sadd.s32 s1, s30  }
0xb9: {  	s0 =	sor.u32 s3, s0;
	s1 =	sshll.u32 s1, $0x11  }
0xba: {  	s0 =	sor.u32 s1, s0  }
0xbb: {  	s0 =	sadd.s32 $0x8F2B, s0  }
0xbc: {  	[sflag:s0] =	ssyncadd.remote.s32 $0x1  }
0xbd: {  	_ =	sfence.sel $0xFFFF  }
0xbe: {  	[dreg:$0x0] =	wrdreg $0xFFFFFFFF;
	(pc) =	sbr.abs _section_cstart, $3  }
0xbf: {  	[dreg:$0x1] =	wrdreg $0xFFFFFFFF  }
0xc0: {  	_ =	task.clear_ibuf [dreg:s6], $0x2FFFF;
	_ =	strace $0x9FFFFFFF  }
0xc1: {  	(tm) =	ssettm $0x7FFFFFFF  }
tec
execute0_lowered:
.L_overlay_start_1:
0x0: {  	(tag) =	ssettag $0x1  }
0x1: {  	s1 =	srdreg.scid;
	s0 =	stileid.u32  }
0x2: {  	s19 =	sand.u32 $0x1, s1;
	s31 =	sshll.u32 s0, $0x1  }
0x3: {  	s20 =	sor.u32 s19, s31  }
0x4: {  	s3 =	smul.u32 $0x54, s20  }
0x5: {  	s21 =	rddreg [dreg:$0x0];
	s2 =	simm.s32 $0x0  }
0x6: {  	s4 =	simm.s32 $0x3;
	[smem:$0x7FF] =	sst s2;
	s3 =	sadd.s32 s3, s21  }
0x7: {  	s1 =	rddreg [dreg:$0x1];
	_ =	strace $0x80000047;
	s3 =	sadd.s32 $0x5E00, s3  }
0x8: {  	[tilespmem:s2], [sflag:$0x3] =	stream.linear.gather [hbm4b:s3+s2], $0x2A0, $0x38;
	[tilespmem:$0xAAA0] =	vst v63  }
0x9: {  	_ =	swait.ge [sflag:s4], $0x2A0  }
0xa: {  	s6 =	simm.s32 $0x80;
	[sflag:s4] =	ssyncset.done $0x0  }
0xb: {  	s7 =	simm.s32 $0x2A0;
	s5 =	sadd.s32 $0x489A00, s21;
	[sflag:s4] =	ssyncadd.s32 $0xFFFFFD60  }
0xc: {  	[tilespmem:s7], [sflag:$0x1] =	stream.indirect.gather [hbm4b:s5+s6], $0x40, s2, s6, $0xb8;
	[tilespmem:$0xAAA0] =	vst v63  }
0xd: {  	s8 =	simm.s32 $0x22A0  }
0xe: {  	[tilespmem:s8], [sflag:$0x1] =	stream.indirect.gather [hbm4b:s5+s6], $0x40, s6, s6, $0xb8;
	[tilespmem:$0xAAA0] =	vst v63  }
0xf: {  	s9 =	simm.s32 $0x100;
	s10 =	simm.s32 $0x42A0  }
0x10: {  	[tilespmem:s10], [sflag:$0x1] =	stream.indirect.gather [hbm4b:s5+s6], $0x40, s9, s6, $0xb8;
	[tilespmem:$0xAAA0] =	vst v63  }
0x11: {  	s11 =	simm.s32 $0x180;
	s12 =	simm.s32 $0x62A0  }
0x12: {  	[tilespmem:s12], [sflag:$0x1] =	stream.indirect.gather [hbm4b:s5+s6], $0x40, s11, s6, $0xb8;
	[tilespmem:$0xAAA0] =	vst v63  }
0x13: {  	s13 =	simm.s32 $0x200;
	s14 =	simm.s32 $0x82A0;
	s15 =	simm.s32 $0x20  }
0x14: {  	[tilespmem:s14], [sflag:$0x1] =	stream.indirect.gather [hbm4b:s5+s6], $0x40, s13, s6, $0xb8;
	[tilespmem:$0xAAA0] =	vst v63  }
0x15: {  	s16 =	simm.s32 $0x280;
	s17 =	simm.s32 $0xA2A0;
	s18 =	simm.s32 $0x1  }
0x16: {  	[tilespmem:s17], [sflag:$0x1] =	stream.indirect.gather [hbm4b:s5+s15], $0x40, s16, s15, $0xb8;
	[tilespmem:$0xAAA0] =	vst v63  }
0x17: {  	_ =	swait.ge [sflag:s18], $0x2000  }
0x18: {  	[sflag:s18] =	ssyncset.done $0x0  }
0x19: {  	[sflag:s18] =	ssyncadd.s32 $0xFFFFE000  }
0x1a: {  	_ =	swait.ge [sflag:s18], $0x2000  }
0x1b: {  	[sflag:s18] =	ssyncset.done $0x0  }
0x1c: {  	[sflag:s18] =	ssyncadd.s32 $0xFFFFE000  }
0x1d: {  	_ =	swait.ge [sflag:s18], $0x2000  }
0x1e: {  	[sflag:s18] =	ssyncset.done $0x0  }
0x1f: {  	[sflag:s18] =	ssyncadd.s32 $0xFFFFE000  }
0x20: {  	_ =	swait.ge [sflag:s18], $0x2000  }
0x21: {  	[sflag:s18] =	ssyncset.done $0x0  }
0x22: {  	[sflag:s18] =	ssyncadd.s32 $0xFFFFE000  }
0x23: {  	_ =	swait.ge [sflag:s18], $0x2000  }
0x24: {  	s24 =	ssub.s32 $0x2, s19;
	[sflag:s18] =	ssyncset.done $0x0  }
0x25: {  	s20 =	smul.u32 $0x1500, s20;
	s25 =	sshrl.u32 s24, $0x1;
	[sflag:s18] =	ssyncadd.s32 $0xFFFFE000  }
0x26: {  	s23 =	simm.s32 $0x56A0;
	s24 =	ssub.s32 s24, s25;
	_ =	swait.ge [sflag:s18], $0x800  }
0x27: {  	s21 =	sadd.s32 s20, s21;
	s20 =	simm.s32 $0x40;
	[sflag:s18] =	ssyncset.done $0x0  }
0x28: {  	s24 =	smax.u32 s24, $0x1;
	s19 =	sadd.s32 $0x6A00, s21;
	[sflag:s18] =	ssyncadd.s32 $0xFFFFF800  }
0x29: {  	[hbm4b:s19+s20] =	stream.strided.scatter [tilespmem:s7], [sflag:$0x2], $0x5400, s6, s20, $0x38;
	[tilespmem:$0xAAA0] =	vst v63  }
0x2a: {  	s22 =	simm.s32 $0x2;
	s21 =	sadd.s32 $0x6A08, s21;
	p0 =	sne.s32 s24, $0x1  }
0x2b: {  	[hbm4b:s21+s20] =	stream.strided.scatter [tilespmem:s23], [sflag:$0x2], $0x5400, s6, s20, $0x38;
	[tilespmem:$0xAAA0] =	vst v63  }
.Ltmp0:
0x2c: {  	_ =	swait.ge [sflag:s22], $0x5400;
	(pc) =	sbr.rel @!p0 .LBB2_2-.Ltmp0, $4  }
0x2d: {  	[sflag:s22] =	ssyncset.done $0x0  }
0x2e: {  	[sflag:s22] =	ssyncadd.s32 $0xFFFFAC00  }
0x2f: {  	_ =	swait.ge [sflag:s22], $0x5400  }
0x30: {  	s24 =	sadd.s32 $0xFFFFFFFF, s24;
	[sflag:s22] =	ssyncset.done $0x0  }
.LBB2_1:
0x31: {  	p0 =	sne.s32 s24, $0x1;
	s24 =	sadd.s32 $0xFFFFFFFF, s24;
	[sflag:s22] =	ssyncadd.s32 $0xFFFFAC00  }
0x32: {  	[tilespmem:s2], [sflag:$0x3] =	stream.linear.gather [hbm4b:s3+s2], $0x2A0, $0x38;
	[tilespmem:$0xAAA0] =	vst v63  }
0x33: {  	_ =	swait.ge [sflag:s4], $0x2A0  }
0x34: {  	[sflag:s4] =	ssyncset.done $0x0  }
0x35: {  	[sflag:s4] =	ssyncadd.s32 $0xFFFFFD60  }
0x36: {  	[tilespmem:s7], [sflag:$0x1] =	stream.indirect.gather [hbm4b:s5+s6], $0x40, s2, s6, $0xb8;
	[tilespmem:$0xAAA0] =	vst v63  }
0x37: {  	_ = 	snop  }
0x38: {  	[tilespmem:s8], [sflag:$0x1] =	stream.indirect.gather [hbm4b:s5+s6], $0x40, s6, s6, $0xb8;
	[tilespmem:$0xAAA0] =	vst v63  }
0x39: {  	_ = 	snop  }
0x3a: {  	[tilespmem:s10], [sflag:$0x1] =	stream.indirect.gather [hbm4b:s5+s6], $0x40, s9, s6, $0xb8;
	[tilespmem:$0xAAA0] =	vst v63  }
0x3b: {  	_ = 	snop  }
0x3c: {  	[tilespmem:s12], [sflag:$0x1] =	stream.indirect.gather [hbm4b:s5+s6], $0x40, s11, s6, $0xb8;
	[tilespmem:$0xAAA0] =	vst v63  }
0x3d: {  	_ = 	snop  }
0x3e: {  	[tilespmem:s14], [sflag:$0x1] =	stream.indirect.gather [hbm4b:s5+s6], $0x40, s13, s6, $0xb8;
	[tilespmem:$0xAAA0] =	vst v63  }
0x3f: {  	_ = 	snop  }
0x40: {  	[tilespmem:s17], [sflag:$0x1] =	stream.indirect.gather [hbm4b:s5+s15], $0x40, s16, s15, $0xb8;
	[tilespmem:$0xAAA0] =	vst v63  }
0x41: {  	_ =	swait.ge [sflag:s18], $0x2000  }
0x42: {  	[sflag:s18] =	ssyncset.done $0x0  }
0x43: {  	[sflag:s18] =	ssyncadd.s32 $0xFFFFE000  }
0x44: {  	_ =	swait.ge [sflag:s18], $0x2000  }
0x45: {  	[sflag:s18] =	ssyncset.done $0x0  }
0x46: {  	[sflag:s18] =	ssyncadd.s32 $0xFFFFE000  }
0x47: {  	_ =	swait.ge [sflag:s18], $0x2000  }
0x48: {  	[sflag:s18] =	ssyncset.done $0x0  }
0x49: {  	[sflag:s18] =	ssyncadd.s32 $0xFFFFE000  }
0x4a: {  	_ =	swait.ge [sflag:s18], $0x2000  }
0x4b: {  	[sflag:s18] =	ssyncset.done $0x0  }
0x4c: {  	[sflag:s18] =	ssyncadd.s32 $0xFFFFE000  }
0x4d: {  	_ =	swait.ge [sflag:s18], $0x2000  }
0x4e: {  	[sflag:s18] =	ssyncset.done $0x0  }
0x4f: {  	[sflag:s18] =	ssyncadd.s32 $0xFFFFE000  }
0x50: {  	_ =	swait.ge [sflag:s18], $0x800  }
0x51: {  	[sflag:s18] =	ssyncset.done $0x0  }
0x52: {  	[sflag:s18] =	ssyncadd.s32 $0xFFFFF800  }
0x53: {  	[hbm4b:s19+s20] =	stream.strided.scatter [tilespmem:s7], [sflag:$0x2], $0x5400, s6, s20, $0x38;
	[tilespmem:$0xAAA0] =	vst v63  }
0x54: {  	_ = 	snop  }
0x55: {  	[hbm4b:s21+s20] =	stream.strided.scatter [tilespmem:s23], [sflag:$0x2], $0x5400, s6, s20, $0x38;
	[tilespmem:$0xAAA0] =	vst v63  }
.Ltmp1:
0x56: {  	_ =	swait.ge [sflag:s22], $0x5400;
	(pc) =	sbr.rel @p0 .LBB2_1-.Ltmp1, $4  }
0x57: {  	[sflag:s22] =	ssyncset.done $0x0  }
0x58: {  	[sflag:s22] =	ssyncadd.s32 $0xFFFFAC00  }
0x59: {  	_ =	swait.ge [sflag:s22], $0x5400  }
0x5a: {  	[sflag:s22] =	ssyncset.done $0x0  }
.LBB2_2:
0x5b: {  	[sflag:s22] =	ssyncadd.s32 $0xFFFFAC00  }
0x5c: {  	_ =	sfence.sel $0x180000  }
0x5d: {  	[bflag:$0x0] =	sbarrier.arrive $0xFFFF  }
0x5e: {  	p0 =	sne.s32 s0, $0x0;
	_ =	strace $0x90000047  }
0x5f: {  	s0 =	sadd.s32 @!p0 $0x100000, s1;
	[bflag:$0x2] =	sbarrier.arrive $0xFFFF  }
0x60: {  	[sflag:s0] =	ssyncadd.tile.s32 @!p0 $0x1;
	_ =	shalt  }
.Lfunc_end2:
_tile_overlayer_lowered:
.L_overlay_start_2:
0x61: {  	(tag) =	ssettag $0x2  }
0x62: {  	s0 =	rddreg [dreg:$0x0];
	s2 =	stileid.u32  }
0x63: {  	s1 =	rddreg [dreg:$0x1];
	p0 =	sne.s32 s2, $0x0  }
0x64: {  	s3 =	rddreg [dreg:$0x2];
	[bflag:$0x3] =	sbarrier.arrive $0xFFFF;
	s2 =	simm.s32 @!p0 $0x1C03  }
0x65: {  	[timem:s3], [sflag:s2] =	dma.local @!p0 [hbm:s0], s1  }
0x66: {  	s0 =	simm.s32 @!p0 $0x3  }
0x67: {  	_ =	swait.ge @!p0 [sflag:s0], s1  }
0x68: {  	s1 =	ssub.s32 @!p0 $0x0, s1;
	[sflag:s0] =	ssyncset.done @!p0 $0x0  }
0x69: {  	[sflag:s0] =	ssyncadd.s32 @!p0 s1  }
0x6a: {  	[bflag:$0x3] =	sbarrier.arrive $0xFFFF  }
0x6b: {  	_ =	shalt  }

// kernel: kernel.6.cloned.1.call-start
scs
__scs_entry_jumppad:
0x0: {  	(pc) =	sbr.rel $0x88, $3  }
0x1: {  	(tag) =	ssettag $0x0;
	lr =	simm.s32 $0x1  }
0x2: {  	[smem:$0x3F95] =	sst lr;
	_ =	strace $0xD0000000  }
0x3: {  	_ = 	snop  }
0x4: {  	_ = 	snop  }
0x5: {  	_ = 	snop  }
0x6: {  	_ = 	snop  }
0x7: {  	_ = 	snop  }
__scs_overlays_trampoline_lowered:
0x8: {  	[smem:$0x3FA4] =	sst s0  }
0x9: {  	[smem:$0x3FA5] =	sst s1  }
0xa: {  	[smem:$0x3FA6] =	sst s2  }
0xb: {  	[smem:$0x3FA7] =	sst s3  }
0xc: {  	[smem:$0x3FA8] =	sst s4  }
0xd: {  	[smem:$0x3FA9] =	sst s5  }
0xe: {  	[smem:$0x3FAA] =	sst s6  }
0xf: {  	[smem:$0x3FAB] =	sst s7  }
0x10: {  	[smem:$0x3FAC] =	sst s8  }
0x11: {  	[smem:$0x3FAD] =	sst s9;
	s0 =	simm.s32 @!p0 $0x0  }
0x12: {  	s1 =	sld [smem:$0x3F93];
	s0 =	simm.s32 @p0 $0x1  }
0x13: {  	[smem:$0x3FAE] =	sst s0;
	s0 =	simm.s32 @!p1 $0x0  }
0x14: {  	s2 =	sld [smem:$0x3F92];
	s0 =	simm.s32 @p1 $0x1  }
0x15: {  	[smem:$0x3FAF] =	sst s0;
	s0 =	simm.s32 @!p2 $0x0  }
0x16: {  	s3 =	sld [smem:$0x3FDB];
	s0 =	simm.s32 @p2 $0x1  }
0x17: {  	s4 =	simm.s32 $0x1BF5;
	[smem:$0x3FB1] =	sst s0  }
0x18: {  	s0 =	sld [smem:$0x3F94];
	_ =	swait.ge [sflag:s4], $0x0  }
0x19: {  	s7 =	sld [smem:$0x3F95]  }
0x1a: {  	s8 =	sadd.s32 $0xFFFFE003, lr  }
0x1b: {  	s9 =	sadd.s32 $0xFFFFFEF7, lr;
	s5 =	simm.s32 $0xFFFFFFFF;
	p2 =	slt.u32 s8, $0xFFFFF086  }
0x1c: {  	p1 =	slt.u32 s9, $0xF7A;
	s5 =	simm.s32 @!p2 $0x0  }
0x1d: {  	s5 =	simm.s32 @p1 $0x1;
	p0 =	seq.s32 s7, s2  }
0x1e: {  	s7 =	smul.u32 @!p0 $0xF7A, s2;
	p2 =	seq.s32 @!p0 s5, $0x0  }
0x1f: {  	s9 =	smul.u32 $0xF7A, s1;
	s8 =	simm.s32 @!p0 $0x1BF5;
	p2 =	por !p2, p0  }
0x20: {  	[sflag:s8] =	ssyncset.s32 @!p0 $0xFFFFF086;
	s6 =	sadd.s32 @!p0 s3, s7;
	s7 =	simm.s32 @!p0 $0x108  }
0x21: {  	s3 =	sadd.s32 s3, s9;
	s6 =	sadd.s32 @!p0 $0x88, s6;
	s7 =	simm.s32 @p2 $0x1082  }
0x22: {  	[simem:s7], [sflag:s8] =	dma.local @!p0 [hbm:s6], $0xF7A  }
0x23: {  	s9 =	sor.u32 $0xD0000000, s2;
	s6 =	simm.s32 $0x108;
	_ =	swait.ge @!p0 [sflag:s8], $0x0  }
0x24: {  	s3 =	sadd.s32 $0x88, s3;
	s6 =	simm.s32 @!p1 $0x1082;
	[sflag:s4] =	ssyncset.s32 $0xFFFFF086  }
0x25: {  	[simem:s6], [sflag:s4] =	dma.local [hbm:s3], $0xF7A  }
0x26: {  	[smem:$0x3F95] =	sst s1;
	(tag) =	ssettag s2;
	_ =	strace s9  }
0x27: {  	s1 =	sld [smem:$0x3FA5]  }
0x28: {  	s2 =	sld [smem:$0x3FA6]  }
0x29: {  	s4 =	sld [smem:$0x3FA8]  }
0x2a: {  	p0 =	seq.s32 s5, $0x0;
	s5 =	sld [smem:$0x3FA9]  }
0x2b: {  	s6 =	sld [smem:$0x3FAA]  }
0x2c: {  	s7 =	sld [smem:$0x3FAB]  }
0x2d: {  	s3 =	simm.s32 $0x108;
	s8 =	sld [smem:$0x3FAC]  }
0x2e: {  	s3 =	simm.s32 @!p0 $0x1082;
	s9 =	sld [smem:$0x3FAD]  }
0x2f: {  	lr =	sadd.s32 s0, s3;
	s0 =	sld [smem:$0x3FA4]  }
0x30: {  	s3 =	sld [smem:$0x3FA7]  }
0x31: {  	[smem:$0x3FB0] =	sst s10  }
0x32: {  	s10 =	sld [smem:$0x3FAE];
	_ =	sdelay $0x3  }
0x33: {  	p0 =	seq.s32 s10, $0x1;
	s10 =	sld [smem:$0x3FB0];
	_ =	sdelay $0x3  }
0x34: {  	[smem:$0x3FB0] =	sst s10  }
0x35: {  	s10 =	sld [smem:$0x3FAF];
	_ =	sdelay $0x3  }
0x36: {  	p1 =	seq.s32 s10, $0x1;
	s10 =	sld [smem:$0x3FB0];
	_ =	sdelay $0x3  }
0x37: {  	[smem:$0x3FB0] =	sst s10  }
0x38: {  	s10 =	sld [smem:$0x3FB1]  }
0x39: {  	_ = 	snop;
	(pc) =	sbr.ind lr, $3  }
0x3a: {  	_ = 	snop  }
0x3b: {  	_ = 	snop  }
0x3c: {  	p2 =	seq.s32 s10, $0x1;
	s10 =	sld [smem:$0x3FB0]  }
0x3d: {  	_ =	shalt  }
0x3e: {  	_ =	shalt  }
0x3f: {  	_ =	shalt  }
0x40: {  	_ =	shalt  }
0x41: {  	_ =	shalt  }
0x42: {  	_ =	shalt  }
0x43: {  	_ =	shalt  }
0x44: {  	_ =	shalt  }
0x45: {  	_ =	shalt  }
0x46: {  	_ =	shalt  }
0x47: {  	_ =	shalt  }
0x48: {  	_ =	shalt  }
0x49: {  	_ =	shalt  }
0x4a: {  	_ =	shalt  }
0x4b: {  	_ =	shalt  }
0x4c: {  	_ =	shalt  }
0x4d: {  	_ =	shalt  }
0x4e: {  	_ =	shalt  }
0x4f: {  	_ =	shalt  }
0x50: {  	_ =	shalt  }
0x51: {  	_ =	shalt  }
0x52: {  	_ =	shalt  }
0x53: {  	_ =	shalt  }
0x54: {  	_ =	shalt  }
0x55: {  	_ =	shalt  }
0x56: {  	_ =	shalt  }
0x57: {  	_ =	shalt  }
0x58: {  	_ =	shalt  }
0x59: {  	_ =	shalt  }
0x5a: {  	_ =	shalt  }
0x5b: {  	_ =	shalt  }
0x5c: {  	_ =	shalt  }
0x5d: {  	_ =	shalt  }
0x5e: {  	_ =	shalt  }
0x5f: {  	_ =	shalt  }
0x60: {  	_ =	shalt  }
0x61: {  	_ =	shalt  }
0x62: {  	_ =	shalt  }
0x63: {  	_ =	shalt  }
0x64: {  	_ =	shalt  }
0x65: {  	_ =	shalt  }
0x66: {  	_ =	shalt  }
0x67: {  	_ =	shalt  }
0x68: {  	_ =	shalt  }
0x69: {  	_ =	shalt  }
0x6a: {  	_ =	shalt  }
0x6b: {  	_ =	shalt  }
0x6c: {  	_ =	shalt  }
0x6d: {  	_ =	shalt  }
0x6e: {  	_ =	shalt  }
0x6f: {  	_ =	shalt  }
0x70: {  	_ =	shalt  }
0x71: {  	_ =	shalt  }
0x72: {  	_ =	shalt  }
0x73: {  	_ =	shalt  }
0x74: {  	_ =	shalt  }
0x75: {  	_ =	shalt  }
0x76: {  	_ =	shalt  }
0x77: {  	_ =	shalt  }
0x78: {  	_ =	shalt  }
0x79: {  	_ =	shalt  }
0x7a: {  	_ =	shalt  }
0x7b: {  	_ =	shalt  }
0x7c: {  	_ =	shalt  }
0x7d: {  	_ =	shalt  }
0x7e: {  	_ =	shalt  }
0x7f: {  	_ =	shalt  }
0x80: {  	_ =	shalt  }
0x81: {  	_ =	shalt  }
0x82: {  	_ =	shalt  }
0x83: {  	_ =	shalt  }
0x84: {  	_ =	shalt  }
0x85: {  	_ =	shalt  }
0x86: {  	_ =	shalt  }
0x87: {  	_ =	shalt  }
.Lfunc_end0:
.L_simem_size_0:
called_computation_lowered:
.L_overlay_start_0:
0x88: {  	s2 =	sld [smem:$0x3FD9]  }
0x89: {  	s3 =	sld [smem:$0x3FFE];
	_ =	sdelay $0x1  }
0x8a: {  	s1 =	srdreg.scid  }
0x8b: {  	s0 =	sand.u32 $0x1, s1  }
0x8c: {  	s15 =	sshll.u32 s0, $0xA;
	s2 =	sadd.s32 s3, s2  }
0x8d: {  	s2 =	sadd.s32 s2, s15  }
0x8e: {  	[smem:$0x3FBC] =	sst s2  }
0x8f: {  	_ = 	snop  }
0x90: {  	s2 =	sld [smem:$0x3FD0];
	_ =	sdelay $0x2  }
0x91: {  	s16 =	simm.s32 $0xC;
	s4 =	simm.s32 $0x10  }
0x92: {  	[smem:s4], [sflag:s16] =	dma.local [hbm:s2], $0x1  }
0x93: {  	_ =	swait.eq [sflag:s16], $0x1  }
0x94: {  	[sflag:s16] =	ssyncset.done $0x0  }
0x95: {  	[sflag:s16] =	ssyncadd.s32 $0xFFFFFFFF  }
0x96: {  	s17 =	sld [smem:$0x12];
	(tm) =	ssettm $0x1  }
0x97: {  	s18 =	sld [smem:$0x3FFB];
	_ =	sdelay $0x3  }
0x98: {  	_ =	strace s18  }
0x99: {  	s2 =	sld [smem:$0x3FFC];
	_ =	sdelay $0x3  }
0x9a: {  	_ =	strace s2  }
0x9b: {  	s2 =	sld [smem:$0x3FFD];
	_ =	sdelay $0x3  }
0x9c: {  	_ =	strace s2  }
0x9d: {  	_ =	strace $0x8FFFFFFF  }
0x9e: {  	s19 =	sld [smem:$0x3FDB];
	_ =	sdelay $0x1  }
0x9f: {  	s20 =	simm.s32 $_scs_section_size  }
0xa0: {  	s5 =	simm.s32 $_size__tile_overlayer_lowered;
	s6 =	simm.s32 $_tile_overlayer_lowered  }
0xa1: {  	s7 =	simm.s32 $0x1BFF;
	s21 =	sshll.u32 s6, $0x1;
	s4 =	sadd.s32 s20, s19  }
0xa2: {  	s22 =	simm.s32 $0x0;
	s5 =	sshll.u32 s5, $0x1;
	s6 =	sadd.s32 s21, s4  }
0xa3: {  	[timem:s22], [sflag:s7] =	dma.local [hbm:s6], s5  }
0xa4: {  	_ =	swait.ge [sflag:s7], s5  }
0xa5: {  	s5 =	ssub.s32 $0x0, s5;
	[sflag:s7] =	ssyncset.done $0x0  }
0xa6: {  	[sflag:s7] =	ssyncadd.s32 s5;
	_ =	sdelay $0x1  }
0xa7: {  	s23 =	simm.s32 $0x1B8B  }
0xa8: {  	_ =	swait.ge [sflag:s23], $0x1  }
0xa9: {  	[sflag:s23] =	ssyncset.done $0x0  }
0xaa: {  	[sflag:s23] =	ssyncadd.s32 $0xFFFFFFFF  }
0xab: {  	s5 =	sld [smem:$0x0]  }
0xac: {  	s6 =	sand.u32 $0xFFFFFFFE, s1  }
0xad: {  	p0 =	sne.s32 s1, s6  }
0xae: {  	s6 =	sshll.u32 @p0 s6, $0xE  }
0xaf: {  	s6 =	sadd.s32 @p0 $0x11B8D, s6;
	s7 =	sshll.u32 @p0 s5, $0x11  }
0xb0: {  	s6 =	sor.u32 @p0 s7, s6  }
0xb1: {  	[sflag:s6] =	ssyncadd.remote.s32 @p0 $0x1;
	_ =	sdelay $0x1  }
0xb2: {  	s6 =	simm.s32 @p0 $0x1B8D  }
0xb3: {  	_ =	swait.eq @p0 [sflag:s6], $0x1  }
0xb4: {  	[sflag:s6] =	ssyncadd.s32 @p0 $0xFFFFFFFF  }
0xb5: {  	s7 =	sshll.u32 @!p0 s1, $0xE  }
0xb6: {  	s7 =	sor.u32 @!p0 $0x4000, s7;
	s6 =	simm.s32 @!p0 $0x1B8D  }
0xb7: {  	s5 =	sshll.u32 @!p0 s5, $0x11;
	s7 =	sadd.s32 @!p0 $0x11B8D, s7;
	_ =	swait.eq @!p0 [sflag:s6], $0x1  }
0xb8: {  	s5 =	sor.u32 @!p0 s5, s7;
	[sflag:s6] =	ssyncadd.s32 @!p0 $0xFFFFFFFF  }
0xb9: {  	s25 =	simm.s32 $0x1B8E;
	s24 =	sld [smem:$0x3FFE];
	[sflag:s5] =	ssyncadd.remote.s32 @!p0 $0x1  }
0xba: {  	s26 =	simm.s32 $execute0_lowered;
	[smem:$0x3FD2] =	sst s25  }
0xbb: {  	s6 =	sshll.u32 s26, $0x1;
	_ =	strace $0x80000049;
	[dreg:$0x1] =	wrdreg $0xFFFFFFFF  }
0xbc: {  	s28 =	simm.s32 $_size_execute0_lowered;
	s4 =	sadd.s32 s4, s6;
	[dreg:$0x0] =	wrdreg $0x0  }
0xbd: {  	s6 =	sshll.u32 s28, $0x1;
	[dreg:$0x2] =	wrdreg s4  }
0xbe: {  	[dreg:$0x3] =	wrdreg s6  }
0xbf: {  	[dreg:$0x4] =	wrdreg $0xC0  }
0xc0: {  	_ =	task [dreg:s22], $0x5FFFF  }
0xc1: {  	[dreg:$0x1] =	wrdreg $0xFFFFFFFF  }
0xc2: {  	[dreg:$0x0] =	wrdreg $0x60  }
0xc3: {  	[dreg:$0x2] =	wrdreg s24  }
0xc4: {  	[dreg:$0x3] =	wrdreg s17  }
0xc5: {  	[dreg:$0x4] =	wrdreg $0x9  }
0xc6: {  	_ =	task.clear_ibuf [dreg:s22], $0x5FFFF;
	_ =	strace $0x90000049  }
0xc7: {  	s29 =	simm.s32 $0x9;
	_ =	strace $0x8000004B  }
0xc8: {  	_ =	swait.ge [sflag:s29], $0x1  }
0xc9: {  	[sflag:s29] =	ssyncadd.s32 $0xFFFFFFFF  }
0xca: {  	_ =	strace $0x9000004B  }
0xcb: {  	_ =	sfence  }
0xcc: {  	s30 =	sld [smem:$0x0];
	_ =	sdelay $0x2  }
0xcd: {  	s31 =	sshll.u32 s1, $0xD;
	s1 =	sshrl.u32 s1, $0x2  }
0xce: {  	s4 =	sand.u32 $0x4000, s31;
	s1 =	sadd.s32 s1, s30  }
0xcf: {  	s0 =	sor.u32 s4, s0;
	s1 =	sshll.u32 s1, $0x11  }
0xd0: {  	s0 =	sor.u32 s1, s0  }
0xd1: {  	s0 =	sadd.s32 $0x8F2B, s0  }
0xd2: {  	[sflag:s0] =	ssyncadd.remote.s32 $0x1  }
0xd3: {  	_ =	sfence.sel $0xFFFF  }
0xd4: {  	[dreg:$0x0] =	wrdreg $0xFFFFFFFF;
	(pc) =	sbr.abs _section_cstart, $3  }
0xd5: {  	[dreg:$0x1] =	wrdreg $0xFFFFFFFF  }
0xd6: {  	_ =	task.clear_ibuf [dreg:s22], $0x2FFFF;
	_ =	strace $0x9FFFFFFF  }
0xd7: {  	(tm) =	ssettm $0x7FFFFFFF  }
tec
execute0_lowered:
.L_overlay_start_1:
0x0: {  	(tag) =	ssettag $0x1  }
0x1: {  	s1 =	srdreg.scid;
	s0 =	stileid.u32  }
0x2: {  	s19 =	rddreg [dreg:$0x0];
	s20 =	sand.u32 $0x1, s1;
	s31 =	sshll.u32 s0, $0x1  }
0x3: {  	s3 =	rddreg [dreg:$0x1];
	s21 =	sor.u32 s20, s31  }
0x4: {  	s2 =	simm.s32 $0x0;
	s1 =	rddreg [dreg:$0x2];
	s4 =	smul.u32 $0x54, s21  }
0x5: {  	[smem:$0x7FF] =	sst s2  }
0x6: {  	_ =	strace $0x8000004A;
	s3 =	sadd.s32 s3, s4;
	s4 =	simm.s32 $0x3  }
0x7: {  	[tilespmem:s2], [sflag:$0x3] =	stream.linear.gather [hbm4b:s3+s2], $0x2A0, $0x38;
	[tilespmem:$0xAAA0] =	vst v63  }
0x8: {  	_ =	swait.ge [sflag:s4], $0x2A0  }
0x9: {  	s6 =	simm.s32 $0x80;
	[sflag:s4] =	ssyncset.done $0x0  }
0xa: {  	s7 =	simm.s32 $0x2A0;
	s5 =	sadd.s32 $0x1B7400, s19;
	[sflag:s4] =	ssyncadd.s32 $0xFFFFFD60  }
0xb: {  	[tilespmem:s7], [sflag:$0x1] =	stream.indirect.gather [hbm4b:s5+s6], $0x40, s2, s6, $0xb8;
	[tilespmem:$0xAAA0] =	vst v63  }
0xc: {  	s8 =	simm.s32 $0x22A0  }
0xd: {  	[tilespmem:s8], [sflag:$0x1] =	stream.indirect.gather [hbm4b:s5+s6], $0x40, s6, s6, $0xb8;
	[tilespmem:$0xAAA0] =	vst v63  }
0xe: {  	s9 =	simm.s32 $0x100;
	s10 =	simm.s32 $0x42A0  }
0xf: {  	[tilespmem:s10], [sflag:$0x1] =	stream.indirect.gather [hbm4b:s5+s6], $0x40, s9, s6, $0xb8;
	[tilespmem:$0xAAA0] =	vst v63  }
0x10: {  	s11 =	simm.s32 $0x180;
	s12 =	simm.s32 $0x62A0  }
0x11: {  	[tilespmem:s12], [sflag:$0x1] =	stream.indirect.gather [hbm4b:s5+s6], $0x40, s11, s6, $0xb8;
	[tilespmem:$0xAAA0] =	vst v63  }
0x12: {  	s13 =	simm.s32 $0x200;
	s14 =	simm.s32 $0x82A0;
	s15 =	simm.s32 $0x20  }
0x13: {  	[tilespmem:s14], [sflag:$0x1] =	stream.indirect.gather [hbm4b:s5+s6], $0x40, s13, s6, $0xb8;
	[tilespmem:$0xAAA0] =	vst v63  }
0x14: {  	s16 =	simm.s32 $0x280;
	s17 =	simm.s32 $0xA2A0;
	s18 =	simm.s32 $0x1  }
0x15: {  	[tilespmem:s17], [sflag:$0x1] =	stream.indirect.gather [hbm4b:s5+s15], $0x40, s16, s15, $0xb8;
	[tilespmem:$0xAAA0] =	vst v63  }
0x16: {  	_ =	swait.ge [sflag:s18], $0x2000  }
0x17: {  	[sflag:s18] =	ssyncset.done $0x0  }
0x18: {  	[sflag:s18] =	ssyncadd.s32 $0xFFFFE000  }
0x19: {  	_ =	swait.ge [sflag:s18], $0x2000  }
0x1a: {  	[sflag:s18] =	ssyncset.done $0x0  }
0x1b: {  	[sflag:s18] =	ssyncadd.s32 $0xFFFFE000  }
0x1c: {  	_ =	swait.ge [sflag:s18], $0x2000  }
0x1d: {  	[sflag:s18] =	ssyncset.done $0x0  }
0x1e: {  	[sflag:s18] =	ssyncadd.s32 $0xFFFFE000  }
0x1f: {  	_ =	swait.ge [sflag:s18], $0x2000  }
0x20: {  	[sflag:s18] =	ssyncset.done $0x0  }
0x21: {  	[sflag:s18] =	ssyncadd.s32 $0xFFFFE000  }
0x22: {  	_ =	swait.ge [sflag:s18], $0x2000  }
0x23: {  	s23 =	simm.s32 $0x56A0;
	[sflag:s18] =	ssyncset.done $0x0  }
0x24: {  	s24 =	ssub.s32 $0x2, s20;
	s21 =	smul.u32 $0x1500, s21;
	[sflag:s18] =	ssyncadd.s32 $0xFFFFE000  }
0x25: {  	s20 =	simm.s32 $0x40;
	s25 =	sshrl.u32 s24, $0x1;
	_ =	swait.ge [sflag:s18], $0x800  }
0x26: {  	s24 =	ssub.s32 s24, s25;
	s21 =	sadd.s32 s21, s19;
	[sflag:s18] =	ssyncset.done $0x0  }
0x27: {  	s24 =	smax.u32 s24, $0x1;
	s19 =	sadd.s32 $0x30A00, s21;
	[sflag:s18] =	ssyncadd.s32 $0xFFFFF800  }
0x28: {  	[hbm4b:s19+s20] =	stream.strided.scatter [tilespmem:s7], [sflag:$0x2], $0x5400, s6, s20, $0x38;
	[tilespmem:$0xAAA0] =	vst v63  }
0x29: {  	s22 =	simm.s32 $0x2;
	s21 =	sadd.s32 $0x30A08, s21;
	p0 =	sne.s32 s24, $0x1  }
0x2a: {  	[hbm4b:s21+s20] =	stream.strided.scatter [tilespmem:s23], [sflag:$0x2], $0x5400, s6, s20, $0x38;
	[tilespmem:$0xAAA0] =	vst v63  }
.Ltmp0:
0x2b: {  	_ =	swait.ge [sflag:s22], $0x5400;
	(pc) =	sbr.rel @!p0 .LBB2_2-.Ltmp0, $4  }
0x2c: {  	[sflag:s22] =	ssyncset.done $0x0  }
0x2d: {  	[sflag:s22] =	ssyncadd.s32 $0xFFFFAC00  }
0x2e: {  	_ =	swait.ge [sflag:s22], $0x5400  }
0x2f: {  	s24 =	sadd.s32 $0xFFFFFFFF, s24;
	[sflag:s22] =	ssyncset.done $0x0  }
.LBB2_1:
0x30: {  	p0 =	sne.s32 s24, $0x1;
	s24 =	sadd.s32 $0xFFFFFFFF, s24;
	[sflag:s22] =	ssyncadd.s32 $0xFFFFAC00  }
0x31: {  	[tilespmem:s2], [sflag:$0x3] =	stream.linear.gather [hbm4b:s3+s2], $0x2A0, $0x38;
	[tilespmem:$0xAAA0] =	vst v63  }
0x32: {  	_ =	swait.ge [sflag:s4], $0x2A0  }
0x33: {  	[sflag:s4] =	ssyncset.done $0x0  }
0x34: {  	[sflag:s4] =	ssyncadd.s32 $0xFFFFFD60  }
0x35: {  	[tilespmem:s7], [sflag:$0x1] =	stream.indirect.gather [hbm4b:s5+s6], $0x40, s2, s6, $0xb8;
	[tilespmem:$0xAAA0] =	vst v63  }
0x36: {  	_ = 	snop  }
0x37: {  	[tilespmem:s8], [sflag:$0x1] =	stream.indirect.gather [hbm4b:s5+s6], $0x40, s6, s6, $0xb8;
	[tilespmem:$0xAAA0] =	vst v63  }
0x38: {  	_ = 	snop  }
0x39: {  	[tilespmem:s10], [sflag:$0x1] =	stream.indirect.gather [hbm4b:s5+s6], $0x40, s9, s6, $0xb8;
	[tilespmem:$0xAAA0] =	vst v63  }
0x3a: {  	_ = 	snop  }
0x3b: {  	[tilespmem:s12], [sflag:$0x1] =	stream.indirect.gather [hbm4b:s5+s6], $0x40, s11, s6, $0xb8;
	[tilespmem:$0xAAA0] =	vst v63  }
0x3c: {  	_ = 	snop  }
0x3d: {  	[tilespmem:s14], [sflag:$0x1] =	stream.indirect.gather [hbm4b:s5+s6], $0x40, s13, s6, $0xb8;
	[tilespmem:$0xAAA0] =	vst v63  }
0x3e: {  	_ = 	snop  }
0x3f: {  	[tilespmem:s17], [sflag:$0x1] =	stream.indirect.gather [hbm4b:s5+s15], $0x40, s16, s15, $0xb8;
	[tilespmem:$0xAAA0] =	vst v63  }
0x40: {  	_ =	swait.ge [sflag:s18], $0x2000  }
0x41: {  	[sflag:s18] =	ssyncset.done $0x0  }
0x42: {  	[sflag:s18] =	ssyncadd.s32 $0xFFFFE000  }
0x43: {  	_ =	swait.ge [sflag:s18], $0x2000  }
0x44: {  	[sflag:s18] =	ssyncset.done $0x0  }
0x45: {  	[sflag:s18] =	ssyncadd.s32 $0xFFFFE000  }
0x46: {  	_ =	swait.ge [sflag:s18], $0x2000  }
0x47: {  	[sflag:s18] =	ssyncset.done $0x0  }
0x48: {  	[sflag:s18] =	ssyncadd.s32 $0xFFFFE000  }
0x49: {  	_ =	swait.ge [sflag:s18], $0x2000  }
0x4a: {  	[sflag:s18] =	ssyncset.done $0x0  }
0x4b: {  	[sflag:s18] =	ssyncadd.s32 $0xFFFFE000  }
0x4c: {  	_ =	swait.ge [sflag:s18], $0x2000  }
0x4d: {  	[sflag:s18] =	ssyncset.done $0x0  }
0x4e: {  	[sflag:s18] =	ssyncadd.s32 $0xFFFFE000  }
0x4f: {  	_ =	swait.ge [sflag:s18], $0x800  }
0x50: {  	[sflag:s18] =	ssyncset.done $0x0  }
0x51: {  	[sflag:s18] =	ssyncadd.s32 $0xFFFFF800  }
0x52: {  	[hbm4b:s19+s20] =	stream.strided.scatter [tilespmem:s7], [sflag:$0x2], $0x5400, s6, s20, $0x38;
	[tilespmem:$0xAAA0] =	vst v63  }
0x53: {  	_ = 	snop  }
0x54: {  	[hbm4b:s21+s20] =	stream.strided.scatter [tilespmem:s23], [sflag:$0x2], $0x5400, s6, s20, $0x38;
	[tilespmem:$0xAAA0] =	vst v63  }
.Ltmp1:
0x55: {  	_ =	swait.ge [sflag:s22], $0x5400;
	(pc) =	sbr.rel @p0 .LBB2_1-.Ltmp1, $4  }
0x56: {  	[sflag:s22] =	ssyncset.done $0x0  }
0x57: {  	[sflag:s22] =	ssyncadd.s32 $0xFFFFAC00  }
0x58: {  	_ =	swait.ge [sflag:s22], $0x5400  }
0x59: {  	[sflag:s22] =	ssyncset.done $0x0  }
.LBB2_2:
0x5a: {  	[sflag:s22] =	ssyncadd.s32 $0xFFFFAC00  }
0x5b: {  	_ =	sfence.sel $0x180000  }
0x5c: {  	[bflag:$0x0] =	sbarrier.arrive $0xFFFF  }
0x5d: {  	p0 =	sne.s32 s0, $0x0;
	_ =	strace $0x9000004A  }
0x5e: {  	s0 =	sadd.s32 @!p0 $0x100000, s1;
	[bflag:$0x2] =	sbarrier.arrive $0xFFFF  }
0x5f: {  	[sflag:s0] =	ssyncadd.tile.s32 @!p0 $0x1;
	_ =	shalt  }
.Lfunc_end2:
_tile_overlayer_lowered:
.L_overlay_start_2:
0x60: {  	(tag) =	ssettag $0x2  }
0x61: {  	s0 =	rddreg [dreg:$0x0];
	s2 =	stileid.u32  }
0x62: {  	s1 =	rddreg [dreg:$0x1];
	p0 =	sne.s32 s2, $0x0  }
0x63: {  	s3 =	rddreg [dreg:$0x2];
	[bflag:$0x3] =	sbarrier.arrive $0xFFFF;
	s2 =	simm.s32 @!p0 $0x1C03  }
0x64: {  	[timem:s3], [sflag:s2] =	dma.local @!p0 [hbm:s0], s1  }
0x65: {  	s0 =	simm.s32 @!p0 $0x3  }
0x66: {  	_ =	swait.ge @!p0 [sflag:s0], s1  }
0x67: {  	s1 =	ssub.s32 @!p0 $0x0, s1;
	[sflag:s0] =	ssyncset.done @!p0 $0x0  }
0x68: {  	[sflag:s0] =	ssyncadd.s32 @!p0 s1  }
0x69: {  	[bflag:$0x3] =	sbarrier.arrive $0xFFFF  }
0x6a: {  	_ =	shalt  }

// kernel: kernel.9.cloned.1.call-start
scs
__scs_entry_jumppad:
0x0: {  	(pc) =	sbr.rel $0x88, $3  }
0x1: {  	(tag) =	ssettag $0x0;
	lr =	simm.s32 $0x1  }
0x2: {  	[smem:$0x3F95] =	sst lr;
	_ =	strace $0xD0000000  }
0x3: {  	_ = 	snop  }
0x4: {  	_ = 	snop  }
0x5: {  	_ = 	snop  }
0x6: {  	_ = 	snop  }
0x7: {  	_ = 	snop  }
__scs_overlays_trampoline_lowered:
0x8: {  	[smem:$0x3FA4] =	sst s0  }
0x9: {  	[smem:$0x3FA5] =	sst s1  }
0xa: {  	[smem:$0x3FA6] =	sst s2  }
0xb: {  	[smem:$0x3FA7] =	sst s3  }
0xc: {  	[smem:$0x3FA8] =	sst s4  }
0xd: {  	[smem:$0x3FA9] =	sst s5  }
0xe: {  	[smem:$0x3FAA] =	sst s6  }
0xf: {  	[smem:$0x3FAB] =	sst s7  }
0x10: {  	[smem:$0x3FAC] =	sst s8  }
0x11: {  	[smem:$0x3FAD] =	sst s9;
	s0 =	simm.s32 @!p0 $0x0  }
0x12: {  	s1 =	sld [smem:$0x3F93];
	s0 =	simm.s32 @p0 $0x1  }
0x13: {  	[smem:$0x3FAE] =	sst s0;
	s0 =	simm.s32 @!p1 $0x0  }
0x14: {  	s2 =	sld [smem:$0x3F92];
	s0 =	simm.s32 @p1 $0x1  }
0x15: {  	[smem:$0x3FAF] =	sst s0;
	s0 =	simm.s32 @!p2 $0x0  }
0x16: {  	s3 =	sld [smem:$0x3FDB];
	s0 =	simm.s32 @p2 $0x1  }
0x17: {  	s4 =	simm.s32 $0x1BF5;
	[smem:$0x3FB1] =	sst s0  }
0x18: {  	s0 =	sld [smem:$0x3F94];
	_ =	swait.ge [sflag:s4], $0x0  }
0x19: {  	s7 =	sld [smem:$0x3F95]  }
0x1a: {  	s8 =	sadd.s32 $0xFFFFE003, lr  }
0x1b: {  	s9 =	sadd.s32 $0xFFFFFEF7, lr;
	s5 =	simm.s32 $0xFFFFFFFF;
	p2 =	slt.u32 s8, $0xFFFFF086  }
0x1c: {  	p1 =	slt.u32 s9, $0xF7A;
	s5 =	simm.s32 @!p2 $0x0  }
0x1d: {  	s5 =	simm.s32 @p1 $0x1;
	p0 =	seq.s32 s7, s2  }
0x1e: {  	s7 =	smul.u32 @!p0 $0xF7A, s2;
	p2 =	seq.s32 @!p0 s5, $0x0  }
0x1f: {  	s9 =	smul.u32 $0xF7A, s1;
	s8 =	simm.s32 @!p0 $0x1BF5;
	p2 =	por !p2, p0  }
0x20: {  	[sflag:s8] =	ssyncset.s32 @!p0 $0xFFFFF086;
	s6 =	sadd.s32 @!p0 s3, s7;
	s7 =	simm.s32 @!p0 $0x108  }
0x21: {  	s3 =	sadd.s32 s3, s9;
	s6 =	sadd.s32 @!p0 $0x88, s6;
	s7 =	simm.s32 @p2 $0x1082  }
0x22: {  	[simem:s7], [sflag:s8] =	dma.local @!p0 [hbm:s6], $0xF7A  }
0x23: {  	s9 =	sor.u32 $0xD0000000, s2;
	s6 =	simm.s32 $0x108;
	_ =	swait.ge @!p0 [sflag:s8], $0x0  }
0x24: {  	s3 =	sadd.s32 $0x88, s3;
	s6 =	simm.s32 @!p1 $0x1082;
	[sflag:s4] =	ssyncset.s32 $0xFFFFF086  }
0x25: {  	[simem:s6], [sflag:s4] =	dma.local [hbm:s3], $0xF7A  }
0x26: {  	[smem:$0x3F95] =	sst s1;
	(tag) =	ssettag s2;
	_ =	strace s9  }
0x27: {  	s1 =	sld [smem:$0x3FA5]  }
0x28: {  	s2 =	sld [smem:$0x3FA6]  }
0x29: {  	s4 =	sld [smem:$0x3FA8]  }
0x2a: {  	p0 =	seq.s32 s5, $0x0;
	s5 =	sld [smem:$0x3FA9]  }
0x2b: {  	s6 =	sld [smem:$0x3FAA]  }
0x2c: {  	s7 =	sld [smem:$0x3FAB]  }
0x2d: {  	s3 =	simm.s32 $0x108;
	s8 =	sld [smem:$0x3FAC]  }
0x2e: {  	s3 =	simm.s32 @!p0 $0x1082;
	s9 =	sld [smem:$0x3FAD]  }
0x2f: {  	lr =	sadd.s32 s0, s3;
	s0 =	sld [smem:$0x3FA4]  }
0x30: {  	s3 =	sld [smem:$0x3FA7]  }
0x31: {  	[smem:$0x3FB0] =	sst s10  }
0x32: {  	s10 =	sld [smem:$0x3FAE];
	_ =	sdelay $0x3  }
0x33: {  	p0 =	seq.s32 s10, $0x1;
	s10 =	sld [smem:$0x3FB0];
	_ =	sdelay $0x3  }
0x34: {  	[smem:$0x3FB0] =	sst s10  }
0x35: {  	s10 =	sld [smem:$0x3FAF];
	_ =	sdelay $0x3  }
0x36: {  	p1 =	seq.s32 s10, $0x1;
	s10 =	sld [smem:$0x3FB0];
	_ =	sdelay $0x3  }
0x37: {  	[smem:$0x3FB0] =	sst s10  }
0x38: {  	s10 =	sld [smem:$0x3FB1]  }
0x39: {  	_ = 	snop;
	(pc) =	sbr.ind lr, $3  }
0x3a: {  	_ = 	snop  }
0x3b: {  	_ = 	snop  }
0x3c: {  	p2 =	seq.s32 s10, $0x1;
	s10 =	sld [smem:$0x3FB0]  }
0x3d: {  	_ =	shalt  }
0x3e: {  	_ =	shalt  }
0x3f: {  	_ =	shalt  }
0x40: {  	_ =	shalt  }
0x41: {  	_ =	shalt  }
0x42: {  	_ =	shalt  }
0x43: {  	_ =	shalt  }
0x44: {  	_ =	shalt  }
0x45: {  	_ =	shalt  }
0x46: {  	_ =	shalt  }
0x47: {  	_ =	shalt  }
0x48: {  	_ =	shalt  }
0x49: {  	_ =	shalt  }
0x4a: {  	_ =	shalt  }
0x4b: {  	_ =	shalt  }
0x4c: {  	_ =	shalt  }
0x4d: {  	_ =	shalt  }
0x4e: {  	_ =	shalt  }
0x4f: {  	_ =	shalt  }
0x50: {  	_ =	shalt  }
0x51: {  	_ =	shalt  }
0x52: {  	_ =	shalt  }
0x53: {  	_ =	shalt  }
0x54: {  	_ =	shalt  }
0x55: {  	_ =	shalt  }
0x56: {  	_ =	shalt  }
0x57: {  	_ =	shalt  }
0x58: {  	_ =	shalt  }
0x59: {  	_ =	shalt  }
0x5a: {  	_ =	shalt  }
0x5b: {  	_ =	shalt  }
0x5c: {  	_ =	shalt  }
0x5d: {  	_ =	shalt  }
0x5e: {  	_ =	shalt  }
0x5f: {  	_ =	shalt  }
0x60: {  	_ =	shalt  }
0x61: {  	_ =	shalt  }
0x62: {  	_ =	shalt  }
0x63: {  	_ =	shalt  }
0x64: {  	_ =	shalt  }
0x65: {  	_ =	shalt  }
0x66: {  	_ =	shalt  }
0x67: {  	_ =	shalt  }
0x68: {  	_ =	shalt  }
0x69: {  	_ =	shalt  }
0x6a: {  	_ =	shalt  }
0x6b: {  	_ =	shalt  }
0x6c: {  	_ =	shalt  }
0x6d: {  	_ =	shalt  }
0x6e: {  	_ =	shalt  }
0x6f: {  	_ =	shalt  }
0x70: {  	_ =	shalt  }
0x71: {  	_ =	shalt  }
0x72: {  	_ =	shalt  }
0x73: {  	_ =	shalt  }
0x74: {  	_ =	shalt  }
0x75: {  	_ =	shalt  }
0x76: {  	_ =	shalt  }
0x77: {  	_ =	shalt  }
0x78: {  	_ =	shalt  }
0x79: {  	_ =	shalt  }
0x7a: {  	_ =	shalt  }
0x7b: {  	_ =	shalt  }
0x7c: {  	_ =	shalt  }
0x7d: {  	_ =	shalt  }
0x7e: {  	_ =	shalt  }
0x7f: {  	_ =	shalt  }
0x80: {  	_ =	shalt  }
0x81: {  	_ =	shalt  }
0x82: {  	_ =	shalt  }
0x83: {  	_ =	shalt  }
0x84: {  	_ =	shalt  }
0x85: {  	_ =	shalt  }
0x86: {  	_ =	shalt  }
0x87: {  	_ =	shalt  }
.Lfunc_end0:
.L_simem_size_0:
called_computation.1_lowered:
.L_overlay_start_0:
0x88: {  	s2 =	sld [smem:$0x3FD9]  }
0x89: {  	s3 =	sld [smem:$0x3FFE];
	_ =	sdelay $0x1  }
0x8a: {  	s1 =	srdreg.scid  }
0x8b: {  	s0 =	sand.u32 $0x1, s1  }
0x8c: {  	s17 =	sshll.u32 s0, $0xA;
	s2 =	sadd.s32 s3, s2  }
0x8d: {  	s2 =	sadd.s32 s2, s17  }
0x8e: {  	[smem:$0x3FBC] =	sst s2  }
0x8f: {  	_ = 	snop  }
0x90: {  	(tm) =	ssettm $0x1  }
0x91: {  	s18 =	sld [smem:$0x3FFB];
	_ =	sdelay $0x3  }
0x92: {  	_ =	strace s18  }
0x93: {  	s2 =	sld [smem:$0x3FFC];
	_ =	sdelay $0x3  }
0x94: {  	_ =	strace s2  }
0x95: {  	s2 =	sld [smem:$0x3FFD];
	_ =	sdelay $0x3  }
0x96: {  	_ =	strace s2  }
0x97: {  	_ =	strace $0x8FFFFFFF  }
0x98: {  	s19 =	sld [smem:$0x3FDB];
	_ =	sdelay $0x1  }
0x99: {  	s20 =	simm.s32 $_scs_section_size  }
0x9a: {  	s4 =	simm.s32 $_size__tile_overlayer_lowered;
	s5 =	simm.s32 $_tile_overlayer_lowered  }
0x9b: {  	s6 =	simm.s32 $0x1BFF;
	s21 =	sshll.u32 s5, $0x1;
	s3 =	sadd.s32 s20, s19  }
0x9c: {  	s22 =	simm.s32 $0x0;
	s4 =	sshll.u32 s4, $0x1;
	s5 =	sadd.s32 s21, s3  }
0x9d: {  	[timem:s22], [sflag:s6] =	dma.local [hbm:s5], s4  }
0x9e: {  	_ =	swait.ge [sflag:s6], s4  }
0x9f: {  	s4 =	ssub.s32 $0x0, s4;
	[sflag:s6] =	ssyncset.done $0x0  }
0xa0: {  	[sflag:s6] =	ssyncadd.s32 s4;
	_ =	sdelay $0x1  }
0xa1: {  	s23 =	simm.s32 $0x1B8B  }
0xa2: {  	_ =	swait.ge [sflag:s23], $0x1  }
0xa3: {  	[sflag:s23] =	ssyncset.done $0x0  }
0xa4: {  	[sflag:s23] =	ssyncadd.s32 $0xFFFFFFFF  }
0xa5: {  	s4 =	sld [smem:$0x0]  }
0xa6: {  	s5 =	sand.u32 $0xFFFFFFFE, s1  }
0xa7: {  	p0 =	sne.s32 s1, s5  }
0xa8: {  	s5 =	sshll.u32 @p0 s5, $0xE  }
0xa9: {  	s5 =	sadd.s32 @p0 $0x11B8D, s5;
	s6 =	sshll.u32 @p0 s4, $0x11  }
0xaa: {  	s5 =	sor.u32 @p0 s6, s5  }
0xab: {  	[sflag:s5] =	ssyncadd.remote.s32 @p0 $0x1;
	_ =	sdelay $0x1  }
0xac: {  	s5 =	simm.s32 @p0 $0x1B8D  }
0xad: {  	_ =	swait.eq @p0 [sflag:s5], $0x1  }
0xae: {  	[sflag:s5] =	ssyncadd.s32 @p0 $0xFFFFFFFF  }
0xaf: {  	s6 =	sshll.u32 @!p0 s1, $0xE  }
0xb0: {  	s6 =	sor.u32 @!p0 $0x4000, s6;
	s5 =	simm.s32 @!p0 $0x1B8D  }
0xb1: {  	s4 =	sshll.u32 @!p0 s4, $0x11;
	s6 =	sadd.s32 @!p0 $0x11B8D, s6;
	_ =	swait.eq @!p0 [sflag:s5], $0x1  }
0xb2: {  	s4 =	sor.u32 @!p0 s4, s6;
	[sflag:s5] =	ssyncadd.s32 @!p0 $0xFFFFFFFF  }
0xb3: {  	s25 =	simm.s32 $0x1B8E;
	s24 =	sld [smem:$0x3FFE];
	[sflag:s4] =	ssyncadd.remote.s32 @!p0 $0x1  }
0xb4: {  	s26 =	simm.s32 $execute0_lowered;
	[smem:$0x3FD2] =	sst s25  }
0xb5: {  	s5 =	sshll.u32 s26, $0x1;
	_ =	strace $0x8000004C;
	[dreg:$0x1] =	wrdreg $0xFFFFFFFF  }
0xb6: {  	s28 =	simm.s32 $_size_execute0_lowered;
	s3 =	sadd.s32 s3, s5;
	[dreg:$0x0] =	wrdreg $0x0  }
0xb7: {  	s5 =	sshll.u32 s28, $0x1;
	[dreg:$0x2] =	wrdreg s3  }
0xb8: {  	[dreg:$0x3] =	wrdreg s5  }
0xb9: {  	[dreg:$0x4] =	wrdreg $0xC0  }
0xba: {  	_ =	task [dreg:s22], $0x5FFFF  }
0xbb: {  	[dreg:$0x1] =	wrdreg $0xFFFFFFFF  }
0xbc: {  	[dreg:$0x0] =	wrdreg $0x60  }
0xbd: {  	[dreg:$0x2] =	wrdreg s24  }
0xbe: {  	[dreg:$0x3] =	wrdreg $0xA  }
0xbf: {  	_ =	task.clear_ibuf [dreg:s22], $0x4FFFF;
	_ =	strace $0x9000004C  }
0xc0: {  	s29 =	simm.s32 $0xA;
	_ =	strace $0x8000004E  }
0xc1: {  	_ =	swait.ge [sflag:s29], $0x1  }
0xc2: {  	[sflag:s29] =	ssyncadd.s32 $0xFFFFFFFF  }
0xc3: {  	_ =	strace $0x9000004E  }
0xc4: {  	_ =	sfence  }
0xc5: {  	s30 =	sld [smem:$0x0];
	_ =	sdelay $0x2  }
0xc6: {  	s31 =	sshll.u32 s1, $0xD;
	s1 =	sshrl.u32 s1, $0x2  }
0xc7: {  	s4 =	sand.u32 $0x4000, s31;
	s1 =	sadd.s32 s1, s30  }
0xc8: {  	s0 =	sor.u32 s4, s0;
	s1 =	sshll.u32 s1, $0x11  }
0xc9: {  	s0 =	sor.u32 s1, s0  }
0xca: {  	s0 =	sadd.s32 $0x8F2B, s0  }
0xcb: {  	[sflag:s0] =	ssyncadd.remote.s32 $0x1  }
0xcc: {  	_ =	sfence.sel $0xFFFF  }
0xcd: {  	[dreg:$0x0] =	wrdreg $0xFFFFFFFF;
	(pc) =	sbr.abs _section_cstart, $3  }
0xce: {  	[dreg:$0x1] =	wrdreg $0xFFFFFFFF  }
0xcf: {  	_ =	task.clear_ibuf [dreg:s22], $0x2FFFF;
	_ =	strace $0x9FFFFFFF  }
0xd0: {  	(tm) =	ssettm $0x7FFFFFFF  }
0xd1: {  	_ =	shalt  }
tec
execute0_lowered:
.L_overlay_start_1:
0x0: {  	(tag) =	ssettag $0x1  }
0x1: {  	s1 =	srdreg.scid;
	s0 =	stileid.u32  }
0x2: {  	s19 =	sand.u32 $0x1, s1;
	s31 =	sshll.u32 s0, $0x1  }
0x3: {  	s20 =	sor.u32 s19, s31  }
0x4: {  	s3 =	smul.u32 $0x54, s20  }
0x5: {  	s21 =	rddreg [dreg:$0x0];
	s2 =	simm.s32 $0x0  }
0x6: {  	s4 =	simm.s32 $0x3;
	[smem:$0x7FF] =	sst s2;
	s3 =	sadd.s32 s3, s21  }
0x7: {  	s1 =	rddreg [dreg:$0x1];
	_ =	strace $0x8000004D;
	s3 =	sadd.s32 $0x11E000, s3  }
0x8: {  	[tilespmem:s2], [sflag:$0x3] =	stream.linear.gather [hbm4b:s3+s2], $0x2A0, $0x38;
	[tilespmem:$0xAAA0] =	vst v63  }
0x9: {  	_ =	swait.ge [sflag:s4], $0x2A0  }
0xa: {  	s6 =	simm.s32 $0x80;
	[sflag:s4] =	ssyncset.done $0x0  }
0xb: {  	s7 =	simm.s32 $0x2A0;
	s5 =	sadd.s32 $0x5AA00, s21;
	[sflag:s4] =	ssyncadd.s32 $0xFFFFFD60  }
0xc: {  	[tilespmem:s7], [sflag:$0x1] =	stream.indirect.gather [hbm4b:s5+s6], $0x40, s2, s6, $0xb8;
	[tilespmem:$0xAAA0] =	vst v63  }
0xd: {  	s8 =	simm.s32 $0x22A0  }
0xe: {  	[tilespmem:s8], [sflag:$0x1] =	stream.indirect.gather [hbm4b:s5+s6], $0x40, s6, s6, $0xb8;
	[tilespmem:$0xAAA0] =	vst v63  }
0xf: {  	s9 =	simm.s32 $0x100;
	s10 =	simm.s32 $0x42A0  }
0x10: {  	[tilespmem:s10], [sflag:$0x1] =	stream.indirect.gather [hbm4b:s5+s6], $0x40, s9, s6, $0xb8;
	[tilespmem:$0xAAA0] =	vst v63  }
0x11: {  	s11 =	simm.s32 $0x180;
	s12 =	simm.s32 $0x62A0  }
0x12: {  	[tilespmem:s12], [sflag:$0x1] =	stream.indirect.gather [hbm4b:s5+s6], $0x40, s11, s6, $0xb8;
	[tilespmem:$0xAAA0] =	vst v63  }
0x13: {  	s13 =	simm.s32 $0x200;
	s14 =	simm.s32 $0x82A0;
	s15 =	simm.s32 $0x20  }
0x14: {  	[tilespmem:s14], [sflag:$0x1] =	stream.indirect.gather [hbm4b:s5+s6], $0x40, s13, s6, $0xb8;
	[tilespmem:$0xAAA0] =	vst v63  }
0x15: {  	s16 =	simm.s32 $0x280;
	s17 =	simm.s32 $0xA2A0;
	s18 =	simm.s32 $0x1  }
0x16: {  	[tilespmem:s17], [sflag:$0x1] =	stream.indirect.gather [hbm4b:s5+s15], $0x40, s16, s15, $0xb8;
	[tilespmem:$0xAAA0] =	vst v63  }
0x17: {  	_ =	swait.ge [sflag:s18], $0x2000  }
0x18: {  	[sflag:s18] =	ssyncset.done $0x0  }
0x19: {  	[sflag:s18] =	ssyncadd.s32 $0xFFFFE000  }
0x1a: {  	_ =	swait.ge [sflag:s18], $0x2000  }
0x1b: {  	[sflag:s18] =	ssyncset.done $0x0  }
0x1c: {  	[sflag:s18] =	ssyncadd.s32 $0xFFFFE000  }
0x1d: {  	_ =	swait.ge [sflag:s18], $0x2000  }
0x1e: {  	[sflag:s18] =	ssyncset.done $0x0  }
0x1f: {  	[sflag:s18] =	ssyncadd.s32 $0xFFFFE000  }
0x20: {  	_ =	swait.ge [sflag:s18], $0x2000  }
0x21: {  	[sflag:s18] =	ssyncset.done $0x0  }
0x22: {  	[sflag:s18] =	ssyncadd.s32 $0xFFFFE000  }
0x23: {  	_ =	swait.ge [sflag:s18], $0x2000  }
0x24: {  	s24 =	ssub.s32 $0x2, s19;
	[sflag:s18] =	ssyncset.done $0x0  }
0x25: {  	s20 =	smul.u32 $0x1500, s20;
	s25 =	sshrl.u32 s24, $0x1;
	[sflag:s18] =	ssyncadd.s32 $0xFFFFE000  }
0x26: {  	s23 =	simm.s32 $0x56A0;
	s24 =	ssub.s32 s24, s25;
	_ =	swait.ge [sflag:s18], $0x800  }
0x27: {  	s21 =	sadd.s32 s20, s21;
	s20 =	simm.s32 $0x40;
	[sflag:s18] =	ssyncset.done $0x0  }
0x28: {  	s24 =	smax.u32 s24, $0x1;
	s19 =	sadd.s32 $0x11EC00, s21;
	[sflag:s18] =	ssyncadd.s32 $0xFFFFF800  }
0x29: {  	[hbm4b:s19+s20] =	stream.strided.scatter [tilespmem:s7], [sflag:$0x2], $0x5400, s6, s20, $0x38;
	[tilespmem:$0xAAA0] =	vst v63  }
0x2a: {  	s22 =	simm.s32 $0x2;
	s21 =	sadd.s32 $0x11EC08, s21;
	p0 =	sne.s32 s24, $0x1  }
0x2b: {  	[hbm4b:s21+s20] =	stream.strided.scatter [tilespmem:s23], [sflag:$0x2], $0x5400, s6, s20, $0x38;
	[tilespmem:$0xAAA0] =	vst v63  }
.Ltmp0:
0x2c: {  	_ =	swait.ge [sflag:s22], $0x5400;
	(pc) =	sbr.rel @!p0 .LBB2_2-.Ltmp0, $4  }
0x2d: {  	[sflag:s22] =	ssyncset.done $0x0  }
0x2e: {  	[sflag:s22] =	ssyncadd.s32 $0xFFFFAC00  }
0x2f: {  	_ =	swait.ge [sflag:s22], $0x5400  }
0x30: {  	s24 =	sadd.s32 $0xFFFFFFFF, s24;
	[sflag:s22] =	ssyncset.done $0x0  }
.LBB2_1:
0x31: {  	p0 =	sne.s32 s24, $0x1;
	s24 =	sadd.s32 $0xFFFFFFFF, s24;
	[sflag:s22] =	ssyncadd.s32 $0xFFFFAC00  }
0x32: {  	[tilespmem:s2], [sflag:$0x3] =	stream.linear.gather [hbm4b:s3+s2], $0x2A0, $0x38;
	[tilespmem:$0xAAA0] =	vst v63  }
0x33: {  	_ =	swait.ge [sflag:s4], $0x2A0  }
0x34: {  	[sflag:s4] =	ssyncset.done $0x0  }
0x35: {  	[sflag:s4] =	ssyncadd.s32 $0xFFFFFD60  }
0x36: {  	[tilespmem:s7], [sflag:$0x1] =	stream.indirect.gather [hbm4b:s5+s6], $0x40, s2, s6, $0xb8;
	[tilespmem:$0xAAA0] =	vst v63  }
0x37: {  	_ = 	snop  }
0x38: {  	[tilespmem:s8], [sflag:$0x1] =	stream.indirect.gather [hbm4b:s5+s6], $0x40, s6, s6, $0xb8;
	[tilespmem:$0xAAA0] =	vst v63  }
0x39: {  	_ = 	snop  }
0x3a: {  	[tilespmem:s10], [sflag:$0x1] =	stream.indirect.gather [hbm4b:s5+s6], $0x40, s9, s6, $0xb8;
	[tilespmem:$0xAAA0] =	vst v63  }
0x3b: {  	_ = 	snop  }
0x3c: {  	[tilespmem:s12], [sflag:$0x1] =	stream.indirect.gather [hbm4b:s5+s6], $0x40, s11, s6, $0xb8;
	[tilespmem:$0xAAA0] =	vst v63  }
0x3d: {  	_ = 	snop  }
0x3e: {  	[tilespmem:s14], [sflag:$0x1] =	stream.indirect.gather [hbm4b:s5+s6], $0x40, s13, s6, $0xb8;
	[tilespmem:$0xAAA0] =	vst v63  }
0x3f: {  	_ = 	snop  }
0x40: {  	[tilespmem:s17], [sflag:$0x1] =	stream.indirect.gather [hbm4b:s5+s15], $0x40, s16, s15, $0xb8;
	[tilespmem:$0xAAA0] =	vst v63  }
0x41: {  	_ =	swait.ge [sflag:s18], $0x2000  }
0x42: {  	[sflag:s18] =	ssyncset.done $0x0  }
0x43: {  	[sflag:s18] =	ssyncadd.s32 $0xFFFFE000  }
0x44: {  	_ =	swait.ge [sflag:s18], $0x2000  }
0x45: {  	[sflag:s18] =	ssyncset.done $0x0  }
0x46: {  	[sflag:s18] =	ssyncadd.s32 $0xFFFFE000  }
0x47: {  	_ =	swait.ge [sflag:s18], $0x2000  }
0x48: {  	[sflag:s18] =	ssyncset.done $0x0  }
0x49: {  	[sflag:s18] =	ssyncadd.s32 $0xFFFFE000  }
0x4a: {  	_ =	swait.ge [sflag:s18], $0x2000  }
0x4b: {  	[sflag:s18] =	ssyncset.done $0x0  }
0x4c: {  	[sflag:s18] =	ssyncadd.s32 $0xFFFFE000  }
0x4d: {  	_ =	swait.ge [sflag:s18], $0x2000  }
0x4e: {  	[sflag:s18] =	ssyncset.done $0x0  }
0x4f: {  	[sflag:s18] =	ssyncadd.s32 $0xFFFFE000  }
0x50: {  	_ =	swait.ge [sflag:s18], $0x800  }
0x51: {  	[sflag:s18] =	ssyncset.done $0x0  }
0x52: {  	[sflag:s18] =	ssyncadd.s32 $0xFFFFF800  }
0x53: {  	[hbm4b:s19+s20] =	stream.strided.scatter [tilespmem:s7], [sflag:$0x2], $0x5400, s6, s20, $0x38;
	[tilespmem:$0xAAA0] =	vst v63  }
0x54: {  	_ = 	snop  }
0x55: {  	[hbm4b:s21+s20] =	stream.strided.scatter [tilespmem:s23], [sflag:$0x2], $0x5400, s6, s20, $0x38;
	[tilespmem:$0xAAA0] =	vst v63  }
.Ltmp1:
0x56: {  	_ =	swait.ge [sflag:s22], $0x5400;
	(pc) =	sbr.rel @p0 .LBB2_1-.Ltmp1, $4  }
0x57: {  	[sflag:s22] =	ssyncset.done $0x0  }
0x58: {  	[sflag:s22] =	ssyncadd.s32 $0xFFFFAC00  }
0x59: {  	_ =	swait.ge [sflag:s22], $0x5400  }
0x5a: {  	[sflag:s22] =	ssyncset.done $0x0  }
.LBB2_2:
0x5b: {  	[sflag:s22] =	ssyncadd.s32 $0xFFFFAC00  }
0x5c: {  	_ =	sfence.sel $0x180000  }
0x5d: {  	[bflag:$0x0] =	sbarrier.arrive $0xFFFF  }
0x5e: {  	p0 =	sne.s32 s0, $0x0;
	_ =	strace $0x9000004D  }
0x5f: {  	s0 =	sadd.s32 @!p0 $0x100000, s1;
	[bflag:$0x2] =	sbarrier.arrive $0xFFFF  }
0x60: {  	[sflag:s0] =	ssyncadd.tile.s32 @!p0 $0x1;
	_ =	shalt  }
.Lfunc_end2:
_tile_overlayer_lowered:
.L_overlay_start_2:
0x61: {  	(tag) =	ssettag $0x2  }
0x62: {  	s0 =	rddreg [dreg:$0x0];
	s2 =	stileid.u32  }
0x63: {  	s1 =	rddreg [dreg:$0x1];
	p0 =	sne.s32 s2, $0x0  }
0x64: {  	s3 =	rddreg [dreg:$0x2];
	[bflag:$0x3] =	sbarrier.arrive $0xFFFF;
	s2 =	simm.s32 @!p0 $0x1C03  }
0x65: {  	[timem:s3], [sflag:s2] =	dma.local @!p0 [hbm:s0], s1  }
0x66: {  	s0 =	simm.s32 @!p0 $0x3  }
0x67: {  	_ =	swait.ge @!p0 [sflag:s0], s1  }
0x68: {  	s1 =	ssub.s32 @!p0 $0x0, s1;
	[sflag:s0] =	ssyncset.done @!p0 $0x0  }
0x69: {  	[sflag:s0] =	ssyncadd.s32 @!p0 s1  }
0x6a: {  	[bflag:$0x3] =	sbarrier.arrive $0xFFFF  }
0x6b: {  	_ =	shalt  }

</sc_bundles>
